<compile_context>
chip_gen: v7x
topology: tpu7x:2x2x1
jax: 0.10.2.dev20260603
libtpu: 0.0.44.dev20260713+nightly
codegen_flags: <defaults>
</compile_context>

<pallas_src>
import functools

import jax
import jax.numpy as jnp
from jax import lax
from jax.experimental import pallas as pl
from jax.experimental.pallas import tpu as pltpu
from jax.experimental.pallas import tpu_sc as plsc

_NTOK = 8192
_D = 1024
_HALF = 512
_K = 1024
_TILE = 1024
_NSPLIT = 1
_HTOK = _NTOK // _NSPLIT
_NB = _HTOK // _TILE

_NC = 2
_NS = 16
_NW = _NC * _NS
_RPW = _HTOK // _NW
_CHUNK = 64
_NCHUNK = _RPW // _CHUNK


def _bf16_dot(a, b):
    return jnp.dot(a.astype(jnp.bfloat16), b.astype(jnp.bfloat16),
                   preferred_element_type=jnp.float32)


def _rne_bf16_bits(f):
    bits = lax.bitcast_convert_type(f, jnp.uint32)
    return (bits + jnp.uint32(0x7FFF)
            + ((bits >> jnp.uint32(16)) & jnp.uint32(1))) >> jnp.uint32(16)


def _prep_body(cb_c_ref, cb_s_ref, ncb_c_ref, ncb_s_ref, w_comb_ref,
               cbn_c_ref, cbn_s_ref, t_c_ref, t_s_ref):
    cbn_c = cb_c_ref[...] / jnp.maximum(ncb_c_ref[...], 1e-12)
    cbn_s = cb_s_ref[...] / jnp.maximum(ncb_s_ref[...], 1e-12)
    cbn_c_ref[...] = cbn_c.astype(jnp.bfloat16)
    cbn_s_ref[...] = cbn_s.astype(jnp.bfloat16)
    t_c = _bf16_dot(cbn_c, w_comb_ref[0:_HALF, :])
    t_s = _bf16_dot(cbn_s, w_comb_ref[_HALF:, :])
    for t, ref in ((t_c, t_c_ref), (t_s, t_s_ref)):
        lo = _rne_bf16_bits(t[:, :_HALF])
        hi = _rne_bf16_bits(t[:, _HALF:])
        ref[...] = lax.bitcast_convert_type(lo | (hi << jnp.uint32(16)),
                                            jnp.int32)


def _a1_body(x_ref, mu_ref, var_ref,
             lncg_ref, lncb_ref, wc_ref, bc_ref,
             lnsg_ref, lnsb_ref, ws_ref, bs_ref,
             c_ref, s_ref):
    xx = x_ref[...]
    xn = (xx - mu_ref[...]) / jnp.sqrt(var_ref[...] + 1e-5)
    a_c = xn * lncg_ref[...] + lncb_ref[...]
    c_ref[...] = jnp.tanh(_bf16_dot(a_c, wc_ref[...]) + bc_ref[...])
    a_s = xn * lnsg_ref[...] + lnsb_ref[...]
    s_ref[...] = jnp.tanh(_bf16_dot(a_s, ws_ref[...]) + bs_ref[...])


def _a2_body(c_ref, s_ref, nc_ref, ns_ref, cbnc_ref, cbns_ref,
             cidx_ref, sidx_ref, acc_ref):
    i = pl.program_id(0)
    content = c_ref[...]
    style = s_ref[...]
    nc = jnp.maximum(nc_ref[...], 1e-12)
    ns = jnp.maximum(ns_ref[...], 1e-12)
    cn = content / nc
    sn = style / ns

    d_c = 1.0 - lax.dot_general(cn.astype(jnp.bfloat16), cbnc_ref[...],
                                (((1,), (1,)), ((), ())),
                                preferred_element_type=jnp.float32)
    d_s = 1.0 - lax.dot_general(sn.astype(jnp.bfloat16), cbns_ref[...],
                                (((1,), (1,)), ((), ())),
                                preferred_element_type=jnp.float32)
    dcmin = jnp.min(d_c, axis=1, keepdims=True)
    dsmin = jnp.min(d_s, axis=1, keepdims=True)
    ii = lax.broadcasted_iota(jnp.int32, d_c.shape, 1)
    big = jnp.int32(2 ** 30)
    cidx_ref[0, 0, :] = jnp.min(jnp.where(d_c == dcmin, ii, big), axis=1)
    sidx_ref[0, 0, :] = jnp.min(jnp.where(d_s == dsmin, ii, big), axis=1)

    ncf = nc[:, 0]
    nsf = ns[:, 0]
    e_c = jnp.sum(1.0 + ncf * ncf - 2.0 * ncf * (1.0 - dcmin[:, 0]))
    e_s = jnp.sum(1.0 + nsf * nsf - 2.0 * nsf * (1.0 - dsmin[:, 0]))
    cosv = jnp.sum(jnp.abs(jnp.sum(cn * sn, axis=1)))

    row = lax.broadcasted_iota(jnp.int32, (8, 128), 0)
    col = lax.broadcasted_iota(jnp.int32, (8, 128), 1)
    vals = (jnp.where((row == 0) & (col == 0), e_c, 0.0)
            + jnp.where((row == 1) & (col == 0), e_s, 0.0)
            + jnp.where((row == 2) & (col == 0), cosv, 0.0))

    @pl.when(i == 0)
    def _():
        acc_ref[...] = jnp.zeros((8, 128), jnp.float32)

    acc_ref[...] += vals


def _gather_body(tc_hbm, ts_hbm, cidx_hbm, sidx_hbm,
                 y1_hbm, y2_hbm,
                 ci_v, si_v, bufc, bufs, sem1, sem2):
    wid = lax.axis_index("s") * _NC + lax.axis_index("c")
    base = wid * _RPW
    pltpu.sync_copy(cidx_hbm.at[pl.ds(base, _RPW)], ci_v)
    pltpu.sync_copy(sidx_hbm.at[pl.ds(base, _RPW)], si_v)

    def body(k, carry):
        r0 = k * _CHUNK
        cpc = pltpu.async_copy(tc_hbm.at[ci_v.at[pl.ds(r0, _CHUNK)]], bufc,
                               sem1)
        cps = pltpu.async_copy(ts_hbm.at[si_v.at[pl.ds(r0, _CHUNK)]], bufs,
                               sem2)
        cpc.wait()
        pltpu.sync_copy(bufc, y1_hbm.at[pl.ds(base + r0, _CHUNK)])
        cps.wait()
        pltpu.sync_copy(bufs, y2_hbm.at[pl.ds(base + r0, _CHUNK)])
        return carry

    lax.fori_loop(0, _NCHUNK, body, 0)


def _unpack_pair(w):
    lo = lax.bitcast_convert_type(jnp.left_shift(w, 16), jnp.float32)
    hi = lax.bitcast_convert_type(jnp.bitwise_and(w, jnp.int32(-65536)),
                                  jnp.float32)
    return lo, hi


def _ln_body(y1_ref, y2_ref, bcomb_ref, g_ref, b_ref, out_ref):
    lo1, hi1 = _unpack_pair(y1_ref[...])
    lo2, hi2 = _unpack_pair(y2_ref[...])
    y = (jnp.concatenate([lo1 + lo2, hi1 + hi2], axis=1) + bcomb_ref[...])
    mu = jnp.mean(y, axis=1, keepdims=True)
    var = jnp.mean((y - mu) ** 2, axis=1, keepdims=True)
    out_ref[...] = (y - mu) / jnp.sqrt(var + 1e-5) * g_ref[...] + b_ref[...]


def kernel(x, ln_c_g, ln_c_b, W_c, b_c, ln_s_g, ln_s_b, W_s, b_s,
           cb_c, cb_s, W_comb, b_comb, ln_o_g, ln_o_b):
    B, S, D = x.shape
    x2d = x.reshape(B * S, D)

    mu = jnp.mean(x2d, axis=-1, keepdims=True)
    var = jnp.mean((x2d - mu) ** 2, axis=-1, keepdims=True)
    ncb_c = jnp.linalg.norm(cb_c, axis=-1, keepdims=True)
    ncb_s = jnp.linalg.norm(cb_s, axis=-1, keepdims=True)

    cbn_c, cbn_s, t_c_pk, t_s_pk = pl.pallas_call(
        _prep_body,
        out_shape=[
            jax.ShapeDtypeStruct((_K, _HALF), jnp.bfloat16),
            jax.ShapeDtypeStruct((_K, _HALF), jnp.bfloat16),
            jax.ShapeDtypeStruct((_K, _HALF), jnp.int32),
            jax.ShapeDtypeStruct((_K, _HALF), jnp.int32),
        ],
    )(cb_c, cb_s, ncb_c, ncb_s, W_comb)

    full = lambda shape: pl.BlockSpec(shape, lambda i: (0,) * len(shape))
    col = lambda: pl.BlockSpec((_TILE, 1), lambda i: (i, 0))
    row_d = lambda: pl.BlockSpec((_TILE, _D), lambda i: (i, 0))
    row_h = lambda: pl.BlockSpec((_TILE, _HALF), lambda i: (i, 0))

    a1_call = pl.pallas_call(
        _a1_body,
        grid=(_NB,),
        in_specs=[
            row_d(), col(), col(),
            full((1, _D)), full((1, _D)), full((_D, _HALF)), full((1, _HALF)),
            full((1, _D)), full((1, _D)), full((_D, _HALF)), full((1, _HALF)),
        ],
        out_specs=[row_h(), row_h()],
        out_shape=[
            jax.ShapeDtypeStruct((_HTOK, _HALF), jnp.float32),
            jax.ShapeDtypeStruct((_HTOK, _HALF), jnp.float32),
        ],
    )

    a2_call = pl.pallas_call(
        _a2_body,
        grid=(_NB,),
        in_specs=[
            row_h(), row_h(), col(), col(),
            full((_K, _HALF)), full((_K, _HALF)),
        ],
        out_specs=[
            pl.BlockSpec((1, 1, _TILE), lambda i: (i, 0, 0)),
            pl.BlockSpec((1, 1, _TILE), lambda i: (i, 0, 0)),
            pl.BlockSpec((8, 128), lambda i: (0, 0)),
        ],
        out_shape=[
            jax.ShapeDtypeStruct((_NB, 1, _TILE), jnp.int32),
            jax.ShapeDtypeStruct((_NB, 1, _TILE), jnp.int32),
            jax.ShapeDtypeStruct((8, 128), jnp.float32),
        ],
    )

    sc_gather = functools.partial(
        pl.kernel,
        mesh=plsc.VectorSubcoreMesh(core_axis_name="c", subcore_axis_name="s"),
        out_type=[
            jax.ShapeDtypeStruct((_HTOK, _HALF), jnp.int32),
            jax.ShapeDtypeStruct((_HTOK, _HALF), jnp.int32),
        ],
        scratch_types=[
            pltpu.VMEM((_RPW,), jnp.int32),
            pltpu.VMEM((_RPW,), jnp.int32),
            pltpu.VMEM((_CHUNK, _HALF), jnp.int32),
            pltpu.VMEM((_CHUNK, _HALF), jnp.int32),
            pltpu.SemaphoreType.DMA,
            pltpu.SemaphoreType.DMA,
        ],
    )(_gather_body)

    ln_call = pl.pallas_call(
        _ln_body,
        grid=(_NB,),
        in_specs=[row_h(), row_h(), full((1, _D)), full((1, _D)),
                  full((1, _D))],
        out_specs=row_d(),
        out_shape=jax.ShapeDtypeStruct((_HTOK, _D), jnp.float32),
    )

    ln_vec_args = (ln_c_g.reshape(1, _D), ln_c_b.reshape(1, _D), W_c,
                   b_c.reshape(1, _HALF),
                   ln_s_g.reshape(1, _D), ln_s_b.reshape(1, _D), W_s,
                   b_s.reshape(1, _HALF))

    cidx_parts, sidx_parts, acc_parts, y_parts = [], [], [], []
    for h in range(_NSPLIT):
        lo, hi = h * _HTOK, (h + 1) * _HTOK
        xh = lax.slice_in_dim(x2d, lo, hi, axis=0)
        muh = lax.slice_in_dim(mu, lo, hi, axis=0)
        varh = lax.slice_in_dim(var, lo, hi, axis=0)
        content_h, style_h = a1_call(xh, muh, varh, *ln_vec_args)
        n_c_h = jnp.linalg.norm(content_h, axis=-1, keepdims=True)
        n_s_h = jnp.linalg.norm(style_h, axis=-1, keepdims=True)
        cidx3, sidx3, acc_h = a2_call(content_h, style_h, n_c_h, n_s_h,
                                      cbn_c, cbn_s)
        ci_h = cidx3.reshape(_HTOK)
        si_h = sidx3.reshape(_HTOK)
        cidx_parts.append(ci_h)
        sidx_parts.append(si_h)
        acc_parts.append(acc_h)
        y_parts.append(sc_gather(t_c_pk, t_s_pk, ci_h, si_h))

    comb_parts = [
        ln_call(y1, y2, b_comb.reshape(1, _D), ln_o_g.reshape(1, _D),
                ln_o_b.reshape(1, _D))
        for (y1, y2) in y_parts
    ]
    combined2d = jnp.concatenate(comb_parts, axis=0)
    cidx_flat = jnp.concatenate(cidx_parts)
    sidx_flat = jnp.concatenate(sidx_parts)
    acc = acc_parts[0]
    for a in acc_parts[1:]:
        acc = acc + a

    e_c = acc[0, 0]
    e_s = acc[1, 0]
    cos_sum = acc[2, 0]
    closs = 0.1 * (e_c / (_NTOK * _HALF))
    sloss = 0.1 * (e_s / (_NTOK * _HALF))
    disentangle_loss = jnp.clip(cos_sum / _NTOK, 0.0, 1.0)
    total_loss = closs + sloss + 0.5 * disentangle_loss

    combined = combined2d.reshape(B, S, D)
    cidx = cidx_flat.reshape(B, S)
    sidx = sidx_flat.reshape(B, S)
    return combined, total_loss, cidx, sidx, disentangle_loss

# --- scband reference (transcript-rebuilt; emitter-appended) ---
"""Pipeline reference for scband-disentangled-vq-24739011625046 (READ-ONLY COPY).

The authoritative reference and input builder live on the scoring server;
editing this copy changes nothing except your own understanding.
"""

import jax, jax.numpy as jnp
import numpy as np


def _ln(x, g, b, eps=1e-5):
    mu = jnp.mean(x, axis=-1, keepdims=True)
    var = jnp.mean((x - mu) ** 2, axis=-1, keepdims=True)
    return (x - mu) / jnp.sqrt(var + eps) * g + b


def _normalize(x, eps=1e-12):
    n = jnp.linalg.norm(x, axis=-1, keepdims=True)
    return x / jnp.maximum(n, eps)


def _vq(inputs, codebook, commitment_cost):
    dim = codebook.shape[1]
    flat = inputs.reshape(-1, dim)
    flat_n = _normalize(flat)
    cb = _normalize(codebook)
    distances = 1.0 - flat_n @ cb.T
    idx = jnp.argmin(distances, axis=1)
    quantized = jnp.take(cb, idx, axis=0).reshape(inputs.shape)
    e_latent = jnp.mean((jax.lax.stop_gradient(quantized) - inputs) ** 2)
    loss = commitment_cost * e_latent
    quantized = inputs + jax.lax.stop_gradient(quantized - inputs)
    return quantized, loss, idx.reshape(inputs.shape[:-1])


def setup_inputs(seed: int = 0):
    key = jax.random.key(seed)
    ks = jax.random.split(key, 8)
    B, S, D = 2, 4096, 1024
    Kc, Ks = 1024, 1024
    half = D // 2
    return {
        "x": jax.random.normal(ks[0], (B, S, D), dtype=jnp.float32),
        "ln_c_g": jnp.ones((D,), jnp.float32),
        "ln_c_b": jnp.zeros((D,), jnp.float32),
        "W_c": jax.random.normal(ks[1], (D, half), jnp.float32) * 0.02,
        "b_c": jnp.zeros((half,), jnp.float32),
        "ln_s_g": jnp.ones((D,), jnp.float32),
        "ln_s_b": jnp.zeros((D,), jnp.float32),
        "W_s": jax.random.normal(ks[2], (D, half), jnp.float32) * 0.02,
        "b_s": jnp.zeros((half,), jnp.float32),
        "cb_c": jax.random.uniform(ks[3], (Kc, half), jnp.float32, -0.01, 0.01),
        "cb_s": jax.random.uniform(ks[4], (Ks, half), jnp.float32, -0.01, 0.01),
        "W_comb": jax.random.normal(ks[5], (D, D), jnp.float32) * 0.02,
        "b_comb": jnp.zeros((D,), jnp.float32),
        "ln_o_g": jnp.ones((D,), jnp.float32),
        "ln_o_b": jnp.zeros((D,), jnp.float32),
    }


def reference(x, ln_c_g, ln_c_b, W_c, b_c, ln_s_g, ln_s_b, W_s, b_s, cb_c, cb_s, W_comb, b_comb, ln_o_g, ln_o_b):
    content = jnp.tanh(_ln(x, ln_c_g, ln_c_b) @ W_c + b_c)
    style = jnp.tanh(_ln(x, ln_s_g, ln_s_b) @ W_s + b_s)
    cq, closs, cidx = _vq(content, cb_c, 0.1)
    sq, sloss, sidx = _vq(style, cb_s, 0.1)
    cn = _normalize(content)
    sn = _normalize(style)
    cosine_sim = jnp.mean(jnp.abs(jnp.sum(cn * sn, axis=-1)))
    disentangle_loss = jnp.clip(cosine_sim, 0.0, 1.0)
    combined = _ln(jnp.concatenate([cq, sq], axis=-1) @ W_comb + b_comb, ln_o_g, ln_o_b)
    total_loss = closs + sloss + 0.5 * disentangle_loss
    return combined, total_loss, cidx, sidx, disentangle_loss

if __name__ == "__main__":
    import jax
    _d = setup_inputs()
    print(jax.jit(kernel)(*tuple(_d.values())))

</pallas_src>

<mosaic_0001>
#map = affine_map<(d0, d1) -> (0, 0)>
#map1 = affine_map<(d0, d1) -> (0)>
module attributes {stable_mosaic.version = 14 : i64} {
  func.func @_gather_body(%arg0: i32, %arg1: i32, %arg2: memref<1024x512xi32, #tpu.memory_space<hbm>>, %arg3: memref<1024x512xi32, #tpu.memory_space<hbm>>, %arg4: memref<8192xi32, #tpu.memory_space<hbm>>, %arg5: memref<8192xi32, #tpu.memory_space<hbm>>, %arg6: memref<8192x512xi32, #tpu.memory_space<hbm>>, %arg7: memref<8192x512xi32, #tpu.memory_space<hbm>>, %arg8: memref<256xi32, #tpu.memory_space<vmem>>, %arg9: memref<256xi32, #tpu.memory_space<vmem>>, %arg10: memref<64x512xi32, #tpu.memory_space<vmem>>, %arg11: memref<64x512xi32, #tpu.memory_space<vmem>>, %arg12: memref<!tpu.dma_semaphore, #tpu.memory_space<semaphore_mem>>, %arg13: memref<!tpu.dma_semaphore, #tpu.memory_space<semaphore_mem>>) attributes {dimension_semantics = [#tpu.dimension_semantics<core_parallel>, #tpu.dimension_semantics<subcore_parallel>], iteration_bounds = array<i64: 2, 16>, scalar_prefetch = 0 : i64, scratch_operands = 6 : i64, tpu.core_type = #tpu.core_type<sc_vector_subcore>, window_params = [{transform_indices = #map}, {transform_indices = #map}, {transform_indices = #map1}, {transform_indices = #map1}, {transform_indices = #map}, {transform_indices = #map}]} {
    %mul3A = arith.constant 2 : i32
    %mul3A_0 = arith.muli %arg1, %mul3A : i32
    %add3A = arith.addi %mul3A_0, %arg0 : i32
    %mul3A_1 = arith.constant 256 : i32
    %mul3A_2 = arith.muli %add3A, %mul3A_1 : i32
    "tpu.region"() ({
      %run_scoped3A = tpu.sem_alloc : memref<!tpu.dma_semaphore, #tpu.memory_space<semaphore_mem>>
      %dma_start3A = tpu.memref_slice %arg4[%mul3A_2] : memref<8192xi32, #tpu.memory_space<hbm>> -> memref<256xi32, #tpu.memory_space<hbm>>
      %dma_start3A_8 = tpu.memref_slice %arg4[%mul3A_2] : memref<8192xi32, #tpu.memory_space<hbm>> -> memref<256xi32, #tpu.memory_space<hbm>>
      tpu.enqueue_dma source(%dma_start3A_8 : memref<256xi32, #tpu.memory_space<hbm>>) target(%arg8 : memref<256xi32, #tpu.memory_space<vmem>>) target_semaphore(%run_scoped3A : memref<!tpu.dma_semaphore, #tpu.memory_space<semaphore_mem>>)
      %dma_wait3A = tpu.memref_slice %arg4[%mul3A_2] : memref<8192xi32, #tpu.memory_space<hbm>> -> memref<256xi32, #tpu.memory_space<hbm>>
      %dma_wait3A_9 = tpu.memref_slice %arg4[%mul3A_2] : memref<8192xi32, #tpu.memory_space<hbm>> -> memref<256xi32, #tpu.memory_space<hbm>>
      tpu.wait_dma2 semaphore(%run_scoped3A : memref<!tpu.dma_semaphore, #tpu.memory_space<semaphore_mem>>) src(%dma_wait3A_9 : memref<256xi32, #tpu.memory_space<hbm>>) dst(%arg8 : memref<256xi32, #tpu.memory_space<vmem>>)
      tpu.yield
    }) : () -> ()
    "tpu.region"() ({
      %run_scoped3A = tpu.sem_alloc : memref<!tpu.dma_semaphore, #tpu.memory_space<semaphore_mem>>
      %dma_start3A = tpu.memref_slice %arg5[%mul3A_2] : memref<8192xi32, #tpu.memory_space<hbm>> -> memref<256xi32, #tpu.memory_space<hbm>>
      %dma_start3A_8 = tpu.memref_slice %arg5[%mul3A_2] : memref<8192xi32, #tpu.memory_space<hbm>> -> memref<256xi32, #tpu.memory_space<hbm>>
      tpu.enqueue_dma source(%dma_start3A_8 : memref<256xi32, #tpu.memory_space<hbm>>) target(%arg9 : memref<256xi32, #tpu.memory_space<vmem>>) target_semaphore(%run_scoped3A : memref<!tpu.dma_semaphore, #tpu.memory_space<semaphore_mem>>)
      %dma_wait3A = tpu.memref_slice %arg5[%mul3A_2] : memref<8192xi32, #tpu.memory_space<hbm>> -> memref<256xi32, #tpu.memory_space<hbm>>
      %dma_wait3A_9 = tpu.memref_slice %arg5[%mul3A_2] : memref<8192xi32, #tpu.memory_space<hbm>> -> memref<256xi32, #tpu.memory_space<hbm>>
      tpu.wait_dma2 semaphore(%run_scoped3A : memref<!tpu.dma_semaphore, #tpu.memory_space<semaphore_mem>>) src(%dma_wait3A_9 : memref<256xi32, #tpu.memory_space<hbm>>) dst(%arg9 : memref<256xi32, #tpu.memory_space<vmem>>)
      tpu.yield
    }) : () -> ()
    %scan3A = arith.constant 0 : i32
    %scan3A_3 = arith.constant 0 : i32
    %scan3A_4 = arith.constant 4 : i32
    %scan3A_5 = arith.addi %scan3A_3, %scan3A_4 : i32
    %scan3A_6 = arith.constant 1 : i32
    scf.for %scan3A_8 = %scan3A_3 to %scan3A_5 step %scan3A_6  : i32 {
      %mul3A_9 = arith.constant 64 : i32
      %mul3A_10 = arith.muli %scan3A_8, %mul3A_9 : i32
      %dma_start3A = tpu.memref_slice %arg8[%mul3A_10] : memref<256xi32, #tpu.memory_space<vmem>> -> memref<64xi32, #tpu.memory_space<vmem>>
      %dma_start3A_11 = arith.constant 0 : i32
      %dma_start3A_12 = arith.constant 0 : i32
      %dma_start3A_13 = tpu.memref_slice %arg2[%dma_start3A_11, %dma_start3A_12] : memref<1024x512xi32, #tpu.memory_space<hbm>> -> memref<1024x512xi32, #tpu.memory_space<hbm>>
      tpu.enqueue_indirect_dma source(%dma_start3A_13 : memref<1024x512xi32, #tpu.memory_space<hbm>>) target(%arg10 : memref<64x512xi32, #tpu.memory_space<vmem>>) offsets(%dma_start3A : memref<64xi32, #tpu.memory_space<vmem>>) semaphore(%arg12 : memref<!tpu.dma_semaphore, #tpu.memory_space<semaphore_mem>>)
      %dma_start3A_14 = tpu.memref_slice %arg9[%mul3A_10] : memref<256xi32, #tpu.memory_space<vmem>> -> memref<64xi32, #tpu.memory_space<vmem>>
      %dma_start3A_15 = arith.constant 0 : i32
      %dma_start3A_16 = arith.constant 0 : i32
      %dma_start3A_17 = tpu.memref_slice %arg3[%dma_start3A_15, %dma_start3A_16] : memref<1024x512xi32, #tpu.memory_space<hbm>> -> memref<1024x512xi32, #tpu.memory_space<hbm>>
      tpu.enqueue_indirect_dma source(%dma_start3A_17 : memref<1024x512xi32, #tpu.memory_space<hbm>>) target(%arg11 : memref<64x512xi32, #tpu.memory_space<vmem>>) offsets(%dma_start3A_14 : memref<64xi32, #tpu.memory_space<vmem>>) semaphore(%arg13 : memref<!tpu.dma_semaphore, #tpu.memory_space<semaphore_mem>>)
      %dma_wait3A = tpu.memref_slice %arg8[%mul3A_10] : memref<256xi32, #tpu.memory_space<vmem>> -> memref<64xi32, #tpu.memory_space<vmem>>
      %dma_wait3A_18 = arith.constant 0 : i32
      %dma_wait3A_19 = arith.constant 0 : i32
      %dma_wait3A_20 = tpu.memref_slice %arg2[%dma_wait3A_18, %dma_wait3A_19] : memref<1024x512xi32, #tpu.memory_space<hbm>> -> memref<1024x512xi32, #tpu.memory_space<hbm>>
      tpu.wait_indirect_dma semaphore(%arg12 : memref<!tpu.dma_semaphore, #tpu.memory_space<semaphore_mem>>) src(%dma_wait3A_20 : memref<1024x512xi32, #tpu.memory_space<hbm>>) dst(%arg10 : memref<64x512xi32, #tpu.memory_space<vmem>>)
      %add3A_21 = arith.addi %mul3A_2, %mul3A_10 : i32
      "tpu.region"() ({
        %run_scoped3A = tpu.sem_alloc : memref<!tpu.dma_semaphore, #tpu.memory_space<semaphore_mem>>
        %dma_start3A_27 = arith.constant 0 : i32
        %dma_start3A_28 = tpu.memref_slice %arg6[%add3A_21, %dma_start3A_27] : memref<8192x512xi32, #tpu.memory_space<hbm>> -> memref<64x512xi32, #tpu.memory_space<hbm>>
        %dma_start3A_29 = arith.constant 0 : i32
        %dma_start3A_30 = tpu.memref_slice %arg6[%add3A_21, %dma_start3A_29] : memref<8192x512xi32, #tpu.memory_space<hbm>> -> memref<64x512xi32, #tpu.memory_space<hbm>>
        tpu.enqueue_dma source(%arg10 : memref<64x512xi32, #tpu.memory_space<vmem>>) target(%dma_start3A_30 : memref<64x512xi32, #tpu.memory_space<hbm>>) target_semaphore(%run_scoped3A : memref<!tpu.dma_semaphore, #tpu.memory_space<semaphore_mem>>)
        %dma_wait3A_31 = arith.constant 0 : i32
        %dma_wait3A_32 = tpu.memref_slice %arg6[%add3A_21, %dma_wait3A_31] : memref<8192x512xi32, #tpu.memory_space<hbm>> -> memref<64x512xi32, #tpu.memory_space<hbm>>
        %dma_wait3A_33 = arith.constant 0 : i32
        %dma_wait3A_34 = tpu.memref_slice %arg6[%add3A_21, %dma_wait3A_33] : memref<8192x512xi32, #tpu.memory_space<hbm>> -> memref<64x512xi32, #tpu.memory_space<hbm>>
        tpu.wait_dma2 semaphore(%run_scoped3A : memref<!tpu.dma_semaphore, #tpu.memory_space<semaphore_mem>>) src(%arg10 : memref<64x512xi32, #tpu.memory_space<vmem>>) dst(%dma_wait3A_34 : memref<64x512xi32, #tpu.memory_space<hbm>>)
        tpu.yield
      }) : () -> ()
      %dma_wait3A_22 = tpu.memref_slice %arg9[%mul3A_10] : memref<256xi32, #tpu.memory_space<vmem>> -> memref<64xi32, #tpu.memory_space<vmem>>
      %dma_wait3A_23 = arith.constant 0 : i32
      %dma_wait3A_24 = arith.constant 0 : i32
      %dma_wait3A_25 = tpu.memref_slice %arg3[%dma_wait3A_23, %dma_wait3A_24] : memref<1024x512xi32, #tpu.memory_space<hbm>> -> memref<1024x512xi32, #tpu.memory_space<hbm>>
      tpu.wait_indirect_dma semaphore(%arg13 : memref<!tpu.dma_semaphore, #tpu.memory_space<semaphore_mem>>) src(%dma_wait3A_25 : memref<1024x512xi32, #tpu.memory_space<hbm>>) dst(%arg11 : memref<64x512xi32, #tpu.memory_space<vmem>>)
      %add3A_26 = arith.addi %mul3A_2, %mul3A_10 : i32
      "tpu.region"() ({
        %run_scoped3A = tpu.sem_alloc : memref<!tpu.dma_semaphore, #tpu.memory_space<semaphore_mem>>
        %dma_start3A_27 = arith.constant 0 : i32
        %dma_start3A_28 = tpu.memref_slice %arg7[%add3A_26, %dma_start3A_27] : memref<8192x512xi32, #tpu.memory_space<hbm>> -> memref<64x512xi32, #tpu.memory_space<hbm>>
        %dma_start3A_29 = arith.constant 0 : i32
        %dma_start3A_30 = tpu.memref_slice %arg7[%add3A_26, %dma_start3A_29] : memref<8192x512xi32, #tpu.memory_space<hbm>> -> memref<64x512xi32, #tpu.memory_space<hbm>>
        tpu.enqueue_dma source(%arg11 : memref<64x512xi32, #tpu.memory_space<vmem>>) target(%dma_start3A_30 : memref<64x512xi32, #tpu.memory_space<hbm>>) target_semaphore(%run_scoped3A : memref<!tpu.dma_semaphore, #tpu.memory_space<semaphore_mem>>)
        %dma_wait3A_31 = arith.constant 0 : i32
        %dma_wait3A_32 = tpu.memref_slice %arg7[%add3A_26, %dma_wait3A_31] : memref<8192x512xi32, #tpu.memory_space<hbm>> -> memref<64x512xi32, #tpu.memory_space<hbm>>
        %dma_wait3A_33 = arith.constant 0 : i32
        %dma_wait3A_34 = tpu.memref_slice %arg7[%add3A_26, %dma_wait3A_33] : memref<8192x512xi32, #tpu.memory_space<hbm>> -> memref<64x512xi32, #tpu.memory_space<hbm>>
        tpu.wait_dma2 semaphore(%run_scoped3A : memref<!tpu.dma_semaphore, #tpu.memory_space<semaphore_mem>>) src(%arg11 : memref<64x512xi32, #tpu.memory_space<vmem>>) dst(%dma_wait3A_34 : memref<64x512xi32, #tpu.memory_space<hbm>>)
        tpu.yield
      }) : () -> ()
    }
    %scan3A_7 = arith.constant 4 : i32
    return
  }
}

module attributes {stable_mosaic.version = 14 : i64} {
  func.func @_a1_body(%arg0: i32, %arg1: memref<1024x1024xf32, #tpu.memory_space<vmem>>, %arg2: memref<1024x1xf32, #tpu.memory_space<vmem>>, %arg3: memref<1024x1xf32, #tpu.memory_space<vmem>>, %arg4: memref<1x1024xf32, #tpu.memory_space<vmem>>, %arg5: memref<1x1024xf32, #tpu.memory_space<vmem>>, %arg6: memref<1024x512xf32, #tpu.memory_space<vmem>>, %arg7: memref<1x512xf32, #tpu.memory_space<vmem>>, %arg8: memref<1x1024xf32, #tpu.memory_space<vmem>>, %arg9: memref<1x1024xf32, #tpu.memory_space<vmem>>, %arg10: memref<1024x512xf32, #tpu.memory_space<vmem>>, %arg11: memref<1x512xf32, #tpu.memory_space<vmem>>, %arg12: memref<1024x512xf32, #tpu.memory_space<vmem>>, %arg13: memref<1024x512xf32, #tpu.memory_space<vmem>>) attributes {dimension_semantics = [#tpu.dimension_semantics<arbitrary>], iteration_bounds = array<i64: 8>, scalar_prefetch = 0 : i64, scratch_operands = 0 : i64, tpu.core_type = #tpu.core_type<tc>, window_params = [{transform_indices = @transform_0, window_bounds = array<i64: 1024, 1024>}, {transform_indices = @transform_1, window_bounds = array<i64: 1024, 1>}, {transform_indices = @transform_2, window_bounds = array<i64: 1024, 1>}, {pipeline_mode = #tpu.pipeline_mode<synchronous>, transform_indices = @transform_3, window_bounds = array<i64: 1, 1024>}, {pipeline_mode = #tpu.pipeline_mode<synchronous>, transform_indices = @transform_4, window_bounds = array<i64: 1, 1024>}, {pipeline_mode = #tpu.pipeline_mode<synchronous>, transform_indices = @transform_5, window_bounds = array<i64: 1024, 512>}, {pipeline_mode = #tpu.pipeline_mode<synchronous>, transform_indices = @transform_6, window_bounds = array<i64: 1, 512>}, {pipeline_mode = #tpu.pipeline_mode<synchronous>, transform_indices = @transform_7, window_bounds = array<i64: 1, 1024>}, {pipeline_mode = #tpu.pipeline_mode<synchronous>, transform_indices = @transform_8, window_bounds = array<i64: 1, 1024>}, {pipeline_mode = #tpu.pipeline_mode<synchronous>, transform_indices = @transform_9, window_bounds = array<i64: 1024, 512>}, {pipeline_mode = #tpu.pipeline_mode<synchronous>, transform_indices = @transform_10, window_bounds = array<i64: 1, 512>}, {transform_indices = @transform_11, window_bounds = array<i64: 1024, 512>}, {transform_indices = @transform_12, window_bounds = array<i64: 1024, 512>}]} {
    %get3A = arith.constant 0 : index
    %get3A_0 = arith.constant 0 : index
    %get3A_1 = vector.load %arg1[%get3A, %get3A_0] : memref<1024x1024xf32, #tpu.memory_space<vmem>>, vector<1024x1024xf32>
    %get3A_2 = arith.constant 0 : index
    %get3A_3 = arith.constant 0 : index
    %get3A_4 = vector.load %arg2[%get3A_2, %get3A_3] : memref<1024x1xf32, #tpu.memory_space<vmem>>, vector<1024x1xf32>
    %sub3A = vector.broadcast %get3A_4 : vector<1024x1xf32> to vector<1024x1024xf32>
    %sub3A_5 = arith.subf %get3A_1, %sub3A : vector<1024x1024xf32>
    %get3A_6 = arith.constant 0 : index
    %get3A_7 = arith.constant 0 : index
    %get3A_8 = vector.load %arg3[%get3A_6, %get3A_7] : memref<1024x1xf32, #tpu.memory_space<vmem>>, vector<1024x1xf32>
    %add3A = arith.constant 9.99999974E-6 : f32
    %add3A_9 = vector.broadcast %add3A : f32 to vector<1024x1xf32>
    %add3A_10 = arith.addf %get3A_8, %add3A_9 : vector<1024x1xf32>
    %sqrt3A = math.sqrt %add3A_10 : vector<1024x1xf32>
    %div3A = vector.broadcast %sqrt3A : vector<1024x1xf32> to vector<1024x1024xf32>
    %div3A_11 = arith.divf %sub3A_5, %div3A : vector<1024x1024xf32>
    %get3A_12 = arith.constant 0 : index
    %get3A_13 = arith.constant 0 : index
    %get3A_14 = vector.load %arg4[%get3A_12, %get3A_13] : memref<1x1024xf32, #tpu.memory_space<vmem>>, vector<1x1024xf32>
    %mul3A = vector.broadcast %get3A_14 : vector<1x1024xf32> to vector<1024x1024xf32>
    %mul3A_15 = arith.mulf %div3A_11, %mul3A : vector<1024x1024xf32>
    %get3A_16 = arith.constant 0 : index
    %get3A_17 = arith.constant 0 : index
    %get3A_18 = vector.load %arg5[%get3A_16, %get3A_17] : memref<1x1024xf32, #tpu.memory_space<vmem>>, vector<1x1024xf32>
    %add3A_19 = vector.broadcast %get3A_18 : vector<1x1024xf32> to vector<1024x1024xf32>
    %add3A_20 = arith.addf %mul3A_15, %add3A_19 : vector<1024x1024xf32>
    %get3A_21 = arith.constant 0 : index
    %get3A_22 = arith.constant 0 : index
    %get3A_23 = vector.load %arg6[%get3A_21, %get3A_22] : memref<1024x512xf32, #tpu.memory_space<vmem>>, vector<1024x512xf32>
    %convert_element_type3A = arith.truncf %add3A_20 : vector<1024x1024xf32> to vector<1024x1024xbf16>
    %convert_element_type3A_24 = arith.truncf %get3A_23 : vector<1024x512xf32> to vector<1024x512xbf16>
    %dot_general3A = arith.constant dense<0.000000e+00> : vector<1024x512xf32>
    %dot_general3A_25 = tpu.matmul %convert_element_type3A, %convert_element_type3A_24, %dot_general3A {dimension_numbers = #tpu.dot_dimension_numbers<[1], [0], [0], [1], [0, 0, 1, 1], [], []>, transpose_lhs_hint = false} : vector<1024x1024xbf16>, vector<1024x512xbf16>, vector<1024x512xf32> -> vector<1024x512xf32>
    %get3A_26 = arith.constant 0 : index
    %get3A_27 = arith.constant 0 : index
    %get3A_28 = vector.load %arg7[%get3A_26, %get3A_27] : memref<1x512xf32, #tpu.memory_space<vmem>>, vector<1x512xf32>
    %add3A_29 = vector.broadcast %get3A_28 : vector<1x512xf32> to vector<1024x512xf32>
    %add3A_30 = arith.addf %dot_general3A_25, %add3A_29 : vector<1024x512xf32>
    %tanh3A = math.tanh %add3A_30 : vector<1024x512xf32>
    %swap3A = arith.constant 0 : index
    %swap3A_31 = arith.constant 0 : index
    %swap3A_32 = vector.load %arg12[%swap3A, %swap3A_31] : memref<1024x512xf32, #tpu.memory_space<vmem>>, vector<1024x512xf32>
    tpu.vector_store %arg12[%swap3A, %swap3A_31], %tanh3A {strides = array<i32>} : memref<1024x512xf32, #tpu.memory_space<vmem>>, vector<1024x512xf32>,
    %get3A_33 = arith.constant 0 : index
    %get3A_34 = arith.constant 0 : index
    %get3A_35 = vector.load %arg8[%get3A_33, %get3A_34] : memref<1x1024xf32, #tpu.memory_space<vmem>>, vector<1x1024xf32>
    %mul3A_36 = vector.broadcast %get3A_35 : vector<1x1024xf32> to vector<1024x1024xf32>
    %mul3A_37 = arith.mulf %div3A_11, %mul3A_36 : vector<1024x1024xf32>
    %get3A_38 = arith.constant 0 : index
    %get3A_39 = arith.constant 0 : index
    %get3A_40 = vector.load %arg9[%get3A_38, %get3A_39] : memref<1x1024xf32, #tpu.memory_space<vmem>>, vector<1x1024xf32>
    %add3A_41 = vector.broadcast %get3A_40 : vector<1x1024xf32> to vector<1024x1024xf32>
    %add3A_42 = arith.addf %mul3A_37, %add3A_41 : vector<1024x1024xf32>
    %get3A_43 = arith.constant 0 : index
    %get3A_44 = arith.constant 0 : index
    %get3A_45 = vector.load %arg10[%get3A_43, %get3A_44] : memref<1024x512xf32, #tpu.memory_space<vmem>>, vector<1024x512xf32>
    %convert_element_type3A_46 = arith.truncf %add3A_42 : vector<1024x1024xf32> to vector<1024x1024xbf16>
    %convert_element_type3A_47 = arith.truncf %get3A_45 : vector<1024x512xf32> to vector<1024x512xbf16>
    %dot_general3A_48 = arith.constant dense<0.000000e+00> : vector<1024x512xf32>
    %dot_general3A_49 = tpu.matmul %convert_element_type3A_46, %convert_element_type3A_47, %dot_general3A_48 {dimension_numbers = #tpu.dot_dimension_numbers<[1], [0], [0], [1], [0, 0, 1, 1], [], []>, transpose_lhs_hint = false} : vector<1024x1024xbf16>, vector<1024x512xbf16>, vector<1024x512xf32> -> vector<1024x512xf32>
    %get3A_50 = arith.constant 0 : index
    %get3A_51 = arith.constant 0 : index
    %get3A_52 = vector.load %arg11[%get3A_50, %get3A_51] : memref<1x512xf32, #tpu.memory_space<vmem>>, vector<1x512xf32>
    %add3A_53 = vector.broadcast %get3A_52 : vector<1x512xf32> to vector<1024x512xf32>
    %add3A_54 = arith.addf %dot_general3A_49, %add3A_53 : vector<1024x512xf32>
    %tanh3A_55 = math.tanh %add3A_54 : vector<1024x512xf32>
    %swap3A_56 = arith.constant 0 : index
    %swap3A_57 = arith.constant 0 : index
    %swap3A_58 = vector.load %arg13[%swap3A_56, %swap3A_57] : memref<1024x512xf32, #tpu.memory_space<vmem>>, vector<1024x512xf32>
    tpu.vector_store %arg13[%swap3A_56, %swap3A_57], %tanh3A_55 {strides = array<i32>} : memref<1024x512xf32, #tpu.memory_space<vmem>>, vector<1024x512xf32>,
    return
  }
  func.func @transform_0(%arg0: i32) -> (i32, i32) {
    %c0_i32 = arith.constant 0 : i32
    %c0_i32_0 = arith.constant 0 : i32
    return %arg0, %c0_i32 : i32, i32
  }
  func.func @transform_1(%arg0: i32) -> (i32, i32) {
    %c0_i32 = arith.constant 0 : i32
    %c0_i32_0 = arith.constant 0 : i32
    return %arg0, %c0_i32 : i32, i32
  }
  func.func @transform_2(%arg0: i32) -> (i32, i32) {
    %c0_i32 = arith.constant 0 : i32
    %c0_i32_0 = arith.constant 0 : i32
    return %arg0, %c0_i32 : i32, i32
  }
  func.func @transform_3(%arg0: i32) -> (i32, i32) {
    %c0_i32 = arith.constant 0 : i32
    %c0_i32_0 = arith.constant 0 : i32
    %c0_i32_1 = arith.constant 0 : i32
    return %c0_i32, %c0_i32_0 : i32, i32
  }
  func.func @transform_4(%arg0: i32) -> (i32, i32) {
    %c0_i32 = arith.constant 0 : i32
    %c0_i32_0 = arith.constant 0 : i32
    %c0_i32_1 = arith.constant 0 : i32
    return %c0_i32, %c0_i32_0 : i32, i32
  }
  func.func @transform_5(%arg0: i32) -> (i32, i32) {
    %c0_i32 = arith.constant 0 : i32
    %c0_i32_0 = arith.constant 0 : i32
    %c0_i32_1 = arith.constant 0 : i32
    return %c0_i32, %c0_i32_0 : i32, i32
  }
  func.func @transform_6(%arg0: i32) -> (i32, i32) {
    %c0_i32 = arith.constant 0 : i32
    %c0_i32_0 = arith.constant 0 : i32
    %c0_i32_1 = arith.constant 0 : i32
    return %c0_i32, %c0_i32_0 : i32, i32
  }
  func.func @transform_7(%arg0: i32) -> (i32, i32) {
    %c0_i32 = arith.constant 0 : i32
    %c0_i32_0 = arith.constant 0 : i32
    %c0_i32_1 = arith.constant 0 : i32
    return %c0_i32, %c0_i32_0 : i32, i32
  }
  func.func @transform_8(%arg0: i32) -> (i32, i32) {
    %c0_i32 = arith.constant 0 : i32
    %c0_i32_0 = arith.constant 0 : i32
    %c0_i32_1 = arith.constant 0 : i32
    return %c0_i32, %c0_i32_0 : i32, i32
  }
  func.func @transform_9(%arg0: i32) -> (i32, i32) {
    %c0_i32 = arith.constant 0 : i32
    %c0_i32_0 = arith.constant 0 : i32
    %c0_i32_1 = arith.constant 0 : i32
    return %c0_i32, %c0_i32_0 : i32, i32
  }
  func.func @transform_10(%arg0: i32) -> (i32, i32) {
    %c0_i32 = arith.constant 0 : i32
    %c0_i32_0 = arith.constant 0 : i32
    %c0_i32_1 = arith.constant 0 : i32
    return %c0_i32, %c0_i32_0 : i32, i32
  }
  func.func @transform_11(%arg0: i32) -> (i32, i32) {
    %c0_i32 = arith.constant 0 : i32
    %c0_i32_0 = arith.constant 0 : i32
    return %arg0, %c0_i32 : i32, i32
  }
  func.func @transform_12(%arg0: i32) -> (i32, i32) {
    %c0_i32 = arith.constant 0 : i32
    %c0_i32_0 = arith.constant 0 : i32
    return %arg0, %c0_i32 : i32, i32
  }
}

module attributes {stable_mosaic.version = 14 : i64} {
  func.func @_prep_body(%arg0: memref<1024x512xf32, #tpu.memory_space<vmem>>, %arg1: memref<1024x512xf32, #tpu.memory_space<vmem>>, %arg2: memref<1024x1xf32, #tpu.memory_space<vmem>>, %arg3: memref<1024x1xf32, #tpu.memory_space<vmem>>, %arg4: memref<1024x1024xf32, #tpu.memory_space<vmem>>, %arg5: memref<1024x512xbf16, #tpu.memory_space<vmem>>, %arg6: memref<1024x512xbf16, #tpu.memory_space<vmem>>, %arg7: memref<1024x512xi32, #tpu.memory_space<vmem>>, %arg8: memref<1024x512xi32, #tpu.memory_space<vmem>>) attributes {dimension_semantics = [], scalar_prefetch = 0 : i64, scratch_operands = 0 : i64, tpu.core_type = #tpu.core_type<tc>} {
    %get3A = arith.constant 0 : index
    %get3A_0 = arith.constant 0 : index
    %get3A_1 = vector.load %arg0[%get3A, %get3A_0] : memref<1024x512xf32, #tpu.memory_space<vmem>>, vector<1024x512xf32>
    %get3A_2 = arith.constant 0 : index
    %get3A_3 = arith.constant 0 : index
    %get3A_4 = vector.load %arg2[%get3A_2, %get3A_3] : memref<1024x1xf32, #tpu.memory_space<vmem>>, vector<1024x1xf32>
    %max3A = arith.constant 9.99999996E-13 : f32
    %max3A_5 = vector.broadcast %max3A : f32 to vector<1024x1xf32>
    %max3A_6 = arith.maximumf %get3A_4, %max3A_5 : vector<1024x1xf32>
    %div3A = vector.broadcast %max3A_6 : vector<1024x1xf32> to vector<1024x512xf32>
    %div3A_7 = arith.divf %get3A_1, %div3A : vector<1024x512xf32>
    %get3A_8 = arith.constant 0 : index
    %get3A_9 = arith.constant 0 : index
    %get3A_10 = vector.load %arg1[%get3A_8, %get3A_9] : memref<1024x512xf32, #tpu.memory_space<vmem>>, vector<1024x512xf32>
    %get3A_11 = arith.constant 0 : index
    %get3A_12 = arith.constant 0 : index
    %get3A_13 = vector.load %arg3[%get3A_11, %get3A_12] : memref<1024x1xf32, #tpu.memory_space<vmem>>, vector<1024x1xf32>
    %max3A_14 = arith.constant 9.99999996E-13 : f32
    %max3A_15 = vector.broadcast %max3A_14 : f32 to vector<1024x1xf32>
    %max3A_16 = arith.maximumf %get3A_13, %max3A_15 : vector<1024x1xf32>
    %div3A_17 = vector.broadcast %max3A_16 : vector<1024x1xf32> to vector<1024x512xf32>
    %div3A_18 = arith.divf %get3A_10, %div3A_17 : vector<1024x512xf32>
    %convert_element_type3A = arith.truncf %div3A_7 : vector<1024x512xf32> to vector<1024x512xbf16>
    %swap3A = arith.constant 0 : index
    %swap3A_19 = arith.constant 0 : index
    %swap3A_20 = vector.load %arg5[%swap3A, %swap3A_19] : memref<1024x512xbf16, #tpu.memory_space<vmem>>, vector<1024x512xbf16>
    tpu.vector_store %arg5[%swap3A, %swap3A_19], %convert_element_type3A {strides = array<i32>} : memref<1024x512xbf16, #tpu.memory_space<vmem>>, vector<1024x512xbf16>,
    %convert_element_type3A_21 = arith.truncf %div3A_18 : vector<1024x512xf32> to vector<1024x512xbf16>
    %swap3A_22 = arith.constant 0 : index
    %swap3A_23 = arith.constant 0 : index
    %swap3A_24 = vector.load %arg6[%swap3A_22, %swap3A_23] : memref<1024x512xbf16, #tpu.memory_space<vmem>>, vector<1024x512xbf16>
    tpu.vector_store %arg6[%swap3A_22, %swap3A_23], %convert_element_type3A_21 {strides = array<i32>} : memref<1024x512xbf16, #tpu.memory_space<vmem>>, vector<1024x512xbf16>,
    %get3A_25 = arith.constant 0 : index
    %get3A_26 = arith.constant 0 : index
    %get3A_27 = vector.load %arg4[%get3A_25, %get3A_26] : memref<1024x1024xf32, #tpu.memory_space<vmem>>, vector<512x1024xf32>
    %convert_element_type3A_28 = arith.truncf %div3A_7 : vector<1024x512xf32> to vector<1024x512xbf16>
    %convert_element_type3A_29 = arith.truncf %get3A_27 : vector<512x1024xf32> to vector<512x1024xbf16>
    %dot_general3A = arith.constant dense<0.000000e+00> : vector<1024x1024xf32>
    %dot_general3A_30 = tpu.matmul %convert_element_type3A_28, %convert_element_type3A_29, %dot_general3A {dimension_numbers = #tpu.dot_dimension_numbers<[1], [0], [0], [1], [0, 0, 1, 1], [], []>, transpose_lhs_hint = false} : vector<1024x512xbf16>, vector<512x1024xbf16>, vector<1024x1024xf32> -> vector<1024x1024xf32>
    %get3A_31 = arith.constant 512 : index
    %get3A_32 = arith.constant 0 : index
    %get3A_33 = vector.load %arg4[%get3A_31, %get3A_32] : memref<1024x1024xf32, #tpu.memory_space<vmem>>, vector<512x1024xf32>
    %convert_element_type3A_34 = arith.truncf %div3A_18 : vector<1024x512xf32> to vector<1024x512xbf16>
    %convert_element_type3A_35 = arith.truncf %get3A_33 : vector<512x1024xf32> to vector<512x1024xbf16>
    %dot_general3A_36 = arith.constant dense<0.000000e+00> : vector<1024x1024xf32>
    %dot_general3A_37 = tpu.matmul %convert_element_type3A_34, %convert_element_type3A_35, %dot_general3A_36 {dimension_numbers = #tpu.dot_dimension_numbers<[1], [0], [0], [1], [0, 0, 1, 1], [], []>, transpose_lhs_hint = false} : vector<1024x512xbf16>, vector<512x1024xbf16>, vector<1024x1024xf32> -> vector<1024x1024xf32>
    %slice3A = vector.extract_strided_slice %dot_general3A_30 {offsets = [0, 0], sizes = [1024, 512], strides = [1, 1]} : vector<1024x1024xf32> to vector<1024x512xf32>
    %bitcast_convert_type3A = tpu.bitcast %slice3A : vector<1024x512xf32> -> vector<1024x512xi32>
    %add3A = arith.constant 32767 : i32
    %add3A_38 = vector.broadcast %add3A : i32 to vector<1024x512xi32>
    %add3A_39 = arith.addi %bitcast_convert_type3A, %add3A_38 : vector<1024x512xi32>
    %shift_right_logical3A = arith.constant 16 : i32
    %shift_right_logical3A_40 = vector.broadcast %shift_right_logical3A : i32 to vector<1024x512xi32>
    %shift_right_logical3A_41 = arith.shrui %bitcast_convert_type3A, %shift_right_logical3A_40 : vector<1024x512xi32>
    %and3A = arith.constant 1 : i32
    %and3A_42 = vector.broadcast %and3A : i32 to vector<1024x512xi32>
    %and3A_43 = arith.andi %shift_right_logical3A_41, %and3A_42 : vector<1024x512xi32>
    %add3A_44 = arith.addi %add3A_39, %and3A_43 : vector<1024x512xi32>
    %shift_right_logical3A_45 = arith.constant 16 : i32
    %shift_right_logical3A_46 = vector.broadcast %shift_right_logical3A_45 : i32 to vector<1024x512xi32>
    %shift_right_logical3A_47 = arith.shrui %add3A_44, %shift_right_logical3A_46 : vector<1024x512xi32>
    %slice3A_48 = vector.extract_strided_slice %dot_general3A_30 {offsets = [0, 512], sizes = [1024, 512], strides = [1, 1]} : vector<1024x1024xf32> to vector<1024x512xf32>
    %bitcast_convert_type3A_49 = tpu.bitcast %slice3A_48 : vector<1024x512xf32> -> vector<1024x512xi32>
    %add3A_50 = arith.constant 32767 : i32
    %add3A_51 = vector.broadcast %add3A_50 : i32 to vector<1024x512xi32>
    %add3A_52 = arith.addi %bitcast_convert_type3A_49, %add3A_51 : vector<1024x512xi32>
    %shift_right_logical3A_53 = arith.constant 16 : i32
    %shift_right_logical3A_54 = vector.broadcast %shift_right_logical3A_53 : i32 to vector<1024x512xi32>
    %shift_right_logical3A_55 = arith.shrui %bitcast_convert_type3A_49, %shift_right_logical3A_54 : vector<1024x512xi32>
    %and3A_56 = arith.constant 1 : i32
    %and3A_57 = vector.broadcast %and3A_56 : i32 to vector<1024x512xi32>
    %and3A_58 = arith.andi %shift_right_logical3A_55, %and3A_57 : vector<1024x512xi32>
    %add3A_59 = arith.addi %add3A_52, %and3A_58 : vector<1024x512xi32>
    %shift_right_logical3A_60 = arith.constant 16 : i32
    %shift_right_logical3A_61 = vector.broadcast %shift_right_logical3A_60 : i32 to vector<1024x512xi32>
    %shift_right_logical3A_62 = arith.shrui %add3A_59, %shift_right_logical3A_61 : vector<1024x512xi32>
    %shift_left3A = arith.constant 16 : i32
    %shift_left3A_63 = vector.broadcast %shift_left3A : i32 to vector<1024x512xi32>
    %shift_left3A_64 = arith.shli %shift_right_logical3A_62, %shift_left3A_63 : vector<1024x512xi32>
    %or3A = arith.ori %shift_right_logical3A_47, %shift_left3A_64 : vector<1024x512xi32>
    %bitcast_convert_type3A_65 = tpu.bitcast %or3A : vector<1024x512xi32> -> vector<1024x512xi32>
    %swap3A_66 = arith.constant 0 : index
    %swap3A_67 = arith.constant 0 : index
    %swap3A_68 = vector.load %arg7[%swap3A_66, %swap3A_67] : memref<1024x512xi32, #tpu.memory_space<vmem>>, vector<1024x512xi32>
    tpu.vector_store %arg7[%swap3A_66, %swap3A_67], %bitcast_convert_type3A_65 {strides = array<i32>} : memref<1024x512xi32, #tpu.memory_space<vmem>>, vector<1024x512xi32>,
    %slice3A_69 = vector.extract_strided_slice %dot_general3A_37 {offsets = [0, 0], sizes = [1024, 512], strides = [1, 1]} : vector<1024x1024xf32> to vector<1024x512xf32>
    %bitcast_convert_type3A_70 = tpu.bitcast %slice3A_69 : vector<1024x512xf32> -> vector<1024x512xi32>
    %add3A_71 = arith.constant 32767 : i32
    %add3A_72 = vector.broadcast %add3A_71 : i32 to vector<1024x512xi32>
    %add3A_73 = arith.addi %bitcast_convert_type3A_70, %add3A_72 : vector<1024x512xi32>
    %shift_right_logical3A_74 = arith.constant 16 : i32
    %shift_right_logical3A_75 = vector.broadcast %shift_right_logical3A_74 : i32 to vector<1024x512xi32>
    %shift_right_logical3A_76 = arith.shrui %bitcast_convert_type3A_70, %shift_right_logical3A_75 : vector<1024x512xi32>
    %and3A_77 = arith.constant 1 : i32
    %and3A_78 = vector.broadcast %and3A_77 : i32 to vector<1024x512xi32>
    %and3A_79 = arith.andi %shift_right_logical3A_76, %and3A_78 : vector<1024x512xi32>
    %add3A_80 = arith.addi %add3A_73, %and3A_79 : vector<1024x512xi32>
    %shift_right_logical3A_81 = arith.constant 16 : i32
    %shift_right_logical3A_82 = vector.broadcast %shift_right_logical3A_81 : i32 to vector<1024x512xi32>
    %shift_right_logical3A_83 = arith.shrui %add3A_80, %shift_right_logical3A_82 : vector<1024x512xi32>
    %slice3A_84 = vector.extract_strided_slice %dot_general3A_37 {offsets = [0, 512], sizes = [1024, 512], strides = [1, 1]} : vector<1024x1024xf32> to vector<1024x512xf32>
    %bitcast_convert_type3A_85 = tpu.bitcast %slice3A_84 : vector<1024x512xf32> -> vector<1024x512xi32>
    %add3A_86 = arith.constant 32767 : i32
    %add3A_87 = vector.broadcast %add3A_86 : i32 to vector<1024x512xi32>
    %add3A_88 = arith.addi %bitcast_convert_type3A_85, %add3A_87 : vector<1024x512xi32>
    %shift_right_logical3A_89 = arith.constant 16 : i32
    %shift_right_logical3A_90 = vector.broadcast %shift_right_logical3A_89 : i32 to vector<1024x512xi32>
    %shift_right_logical3A_91 = arith.shrui %bitcast_convert_type3A_85, %shift_right_logical3A_90 : vector<1024x512xi32>
    %and3A_92 = arith.constant 1 : i32
    %and3A_93 = vector.broadcast %and3A_92 : i32 to vector<1024x512xi32>
    %and3A_94 = arith.andi %shift_right_logical3A_91, %and3A_93 : vector<1024x512xi32>
    %add3A_95 = arith.addi %add3A_88, %and3A_94 : vector<1024x512xi32>
    %shift_right_logical3A_96 = arith.constant 16 : i32
    %shift_right_logical3A_97 = vector.broadcast %shift_right_logical3A_96 : i32 to vector<1024x512xi32>
    %shift_right_logical3A_98 = arith.shrui %add3A_95, %shift_right_logical3A_97 : vector<1024x512xi32>
    %shift_left3A_99 = arith.constant 16 : i32
    %shift_left3A_100 = vector.broadcast %shift_left3A_99 : i32 to vector<1024x512xi32>
    %shift_left3A_101 = arith.shli %shift_right_logical3A_98, %shift_left3A_100 : vector<1024x512xi32>
    %or3A_102 = arith.ori %shift_right_logical3A_83, %shift_left3A_101 : vector<1024x512xi32>
    %bitcast_convert_type3A_103 = tpu.bitcast %or3A_102 : vector<1024x512xi32> -> vector<1024x512xi32>
    %swap3A_104 = arith.constant 0 : index
    %swap3A_105 = arith.constant 0 : index
    %swap3A_106 = vector.load %arg8[%swap3A_104, %swap3A_105] : memref<1024x512xi32, #tpu.memory_space<vmem>>, vector<1024x512xi32>
    tpu.vector_store %arg8[%swap3A_104, %swap3A_105], %bitcast_convert_type3A_103 {strides = array<i32>} : memref<1024x512xi32, #tpu.memory_space<vmem>>, vector<1024x512xi32>,
    return
  }
}

module attributes {stable_mosaic.version = 14 : i64} {
  func.func @_a2_body(%arg0: i32, %arg1: memref<1024x512xf32, #tpu.memory_space<vmem>>, %arg2: memref<1024x512xf32, #tpu.memory_space<vmem>>, %arg3: memref<1024x1xf32, #tpu.memory_space<vmem>>, %arg4: memref<1024x1xf32, #tpu.memory_space<vmem>>, %arg5: memref<1024x512xbf16, #tpu.memory_space<vmem>>, %arg6: memref<1024x512xbf16, #tpu.memory_space<vmem>>, %arg7: memref<1x1x1024xi32, #tpu.memory_space<vmem>>, %arg8: memref<1x1x1024xi32, #tpu.memory_space<vmem>>, %arg9: memref<8x128xf32, #tpu.memory_space<vmem>>) attributes {dimension_semantics = [#tpu.dimension_semantics<arbitrary>], iteration_bounds = array<i64: 8>, scalar_prefetch = 0 : i64, scratch_operands = 0 : i64, tpu.core_type = #tpu.core_type<tc>, window_params = [{transform_indices = @transform_0, window_bounds = array<i64: 1024, 512>}, {transform_indices = @transform_1, window_bounds = array<i64: 1024, 512>}, {transform_indices = @transform_2, window_bounds = array<i64: 1024, 1>}, {transform_indices = @transform_3, window_bounds = array<i64: 1024, 1>}, {pipeline_mode = #tpu.pipeline_mode<synchronous>, transform_indices = @transform_4, window_bounds = array<i64: 1024, 512>}, {pipeline_mode = #tpu.pipeline_mode<synchronous>, transform_indices = @transform_5, window_bounds = array<i64: 1024, 512>}, {transform_indices = @transform_6, window_bounds = array<i64: 1, 1, 1024>}, {transform_indices = @transform_7, window_bounds = array<i64: 1, 1, 1024>}, {pipeline_mode = #tpu.pipeline_mode<synchronous>, transform_indices = @transform_8, window_bounds = array<i64: 8, 128>}]} {
    %get3A = arith.constant 0 : index
    %get3A_0 = arith.constant 0 : index
    %get3A_1 = vector.load %arg1[%get3A, %get3A_0] : memref<1024x512xf32, #tpu.memory_space<vmem>>, vector<1024x512xf32>
    %get3A_2 = arith.constant 0 : index
    %get3A_3 = arith.constant 0 : index
    %get3A_4 = vector.load %arg2[%get3A_2, %get3A_3] : memref<1024x512xf32, #tpu.memory_space<vmem>>, vector<1024x512xf32>
    %get3A_5 = arith.constant 0 : index
    %get3A_6 = arith.constant 0 : index
    %get3A_7 = vector.load %arg3[%get3A_5, %get3A_6] : memref<1024x1xf32, #tpu.memory_space<vmem>>, vector<1024x1xf32>
    %max3A = arith.constant 9.99999996E-13 : f32
    %max3A_8 = vector.broadcast %max3A : f32 to vector<1024x1xf32>
    %max3A_9 = arith.maximumf %get3A_7, %max3A_8 : vector<1024x1xf32>
    %get3A_10 = arith.constant 0 : index
    %get3A_11 = arith.constant 0 : index
    %get3A_12 = vector.load %arg4[%get3A_10, %get3A_11] : memref<1024x1xf32, #tpu.memory_space<vmem>>, vector<1024x1xf32>
    %max3A_13 = arith.constant 9.99999996E-13 : f32
    %max3A_14 = vector.broadcast %max3A_13 : f32 to vector<1024x1xf32>
    %max3A_15 = arith.maximumf %get3A_12, %max3A_14 : vector<1024x1xf32>
    %div3A = vector.broadcast %max3A_9 : vector<1024x1xf32> to vector<1024x512xf32>
    %div3A_16 = arith.divf %get3A_1, %div3A : vector<1024x512xf32>
    %div3A_17 = vector.broadcast %max3A_15 : vector<1024x1xf32> to vector<1024x512xf32>
    %div3A_18 = arith.divf %get3A_4, %div3A_17 : vector<1024x512xf32>
    %convert_element_type3A = arith.truncf %div3A_16 : vector<1024x512xf32> to vector<1024x512xbf16>
    %get3A_19 = arith.constant 0 : index
    %get3A_20 = arith.constant 0 : index
    %get3A_21 = vector.load %arg5[%get3A_19, %get3A_20] : memref<1024x512xbf16, #tpu.memory_space<vmem>>, vector<1024x512xbf16>
    %dot_general3A = arith.constant dense<0.000000e+00> : vector<1024x1024xf32>
    %dot_general3A_22 = tpu.matmul %convert_element_type3A, %get3A_21, %dot_general3A {dimension_numbers = #tpu.dot_dimension_numbers<[1], [1], [0], [0], [0, 0, 1, 0], [], []>, transpose_lhs_hint = false} : vector<1024x512xbf16>, vector<1024x512xbf16>, vector<1024x1024xf32> -> vector<1024x1024xf32>
    %sub3A = arith.constant 1.000000e+00 : f32
    %sub3A_23 = vector.broadcast %sub3A : f32 to vector<1024x1024xf32>
    %sub3A_24 = arith.subf %sub3A_23, %dot_general3A_22 : vector<1024x1024xf32>
    %convert_element_type3A_25 = arith.truncf %div3A_18 : vector<1024x512xf32> to vector<1024x512xbf16>
    %get3A_26 = arith.constant 0 : index
    %get3A_27 = arith.constant 0 : index
    %get3A_28 = vector.load %arg6[%get3A_26, %get3A_27] : memref<1024x512xbf16, #tpu.memory_space<vmem>>, vector<1024x512xbf16>
    %dot_general3A_29 = arith.constant dense<0.000000e+00> : vector<1024x1024xf32>
    %dot_general3A_30 = tpu.matmul %convert_element_type3A_25, %get3A_28, %dot_general3A_29 {dimension_numbers = #tpu.dot_dimension_numbers<[1], [1], [0], [0], [0, 0, 1, 0], [], []>, transpose_lhs_hint = false} : vector<1024x512xbf16>, vector<1024x512xbf16>, vector<1024x1024xf32> -> vector<1024x1024xf32>
    %sub3A_31 = arith.constant 1.000000e+00 : f32
    %sub3A_32 = vector.broadcast %sub3A_31 : f32 to vector<1024x1024xf32>
    %sub3A_33 = arith.subf %sub3A_32, %dot_general3A_30 : vector<1024x1024xf32>
    %reduce_min3A = arith.constant dense<0x7F800000> : vector<1024xf32>
    %reduce_min3A_34 = vector.multi_reduction <minimumf>, %sub3A_24, %reduce_min3A [1] : vector<1024x1024xf32> to vector<1024xf32>
    %broadcast_in_dim3A = vector.shape_cast %reduce_min3A_34 : vector<1024xf32> to vector<1024x1xf32>
    %reduce_min3A_35 = arith.constant dense<0x7F800000> : vector<1024xf32>
    %reduce_min3A_36 = vector.multi_reduction <minimumf>, %sub3A_33, %reduce_min3A_35 [1] : vector<1024x1024xf32> to vector<1024xf32>
    %broadcast_in_dim3A_37 = vector.shape_cast %reduce_min3A_36 : vector<1024xf32> to vector<1024x1xf32>
    %iota3A = tpu.iota {dimensions = array<i32: 1>} : vector<1024x1024xi32>
    %eq3A = vector.broadcast %broadcast_in_dim3A : vector<1024x1xf32> to vector<1024x1024xf32>
    %eq3A_38 = arith.cmpf oeq, %sub3A_24, %eq3A : vector<1024x1024xf32>
    %jit3A = arith.constant 1073741824 : i32
    %broadcast_in_dim3A_39 = vector.broadcast %jit3A : i32 to vector<1024x1024xi32>
    %select_n3A = arith.select %eq3A_38, %iota3A, %broadcast_in_dim3A_39 : vector<1024x1024xi1>, vector<1024x1024xi32>
    %reduce_min3A_40 = arith.constant dense<2147483647> : vector<1024xi32>
    %reduce_min3A_41 = vector.multi_reduction <minsi>, %select_n3A, %reduce_min3A_40 [1] : vector<1024x1024xi32> to vector<1024xi32>
    %swap3A = arith.constant 0 : index
    %swap3A_42 = arith.constant 0 : index
    %swap3A_43 = arith.constant 0 : index
    %swap3A_44 = vector.load %arg7[%swap3A, %swap3A_42, %swap3A_43] : memref<1x1x1024xi32, #tpu.memory_space<vmem>>, vector<1x1x1024xi32>
    %swap3A_45 = vector.shape_cast %swap3A_44 : vector<1x1x1024xi32> to vector<1024xi32>
    %swap3A_46 = vector.shape_cast %reduce_min3A_41 : vector<1024xi32> to vector<1x1x1024xi32>
    tpu.vector_store %arg7[%swap3A, %swap3A_42, %swap3A_43], %swap3A_46 {strides = array<i32>} : memref<1x1x1024xi32, #tpu.memory_space<vmem>>, vector<1x1x1024xi32>,
    %eq3A_47 = vector.broadcast %broadcast_in_dim3A_37 : vector<1024x1xf32> to vector<1024x1024xf32>
    %eq3A_48 = arith.cmpf oeq, %sub3A_33, %eq3A_47 : vector<1024x1024xf32>
    %jit3A_49 = arith.constant 1073741824 : i32
    %broadcast_in_dim3A_50 = vector.broadcast %jit3A_49 : i32 to vector<1024x1024xi32>
    %select_n3A_51 = arith.select %eq3A_48, %iota3A, %broadcast_in_dim3A_50 : vector<1024x1024xi1>, vector<1024x1024xi32>
    %reduce_min3A_52 = arith.constant dense<2147483647> : vector<1024xi32>
    %reduce_min3A_53 = vector.multi_reduction <minsi>, %select_n3A_51, %reduce_min3A_52 [1] : vector<1024x1024xi32> to vector<1024xi32>
    %swap3A_54 = arith.constant 0 : index
    %swap3A_55 = arith.constant 0 : index
    %swap3A_56 = arith.constant 0 : index
    %swap3A_57 = vector.load %arg8[%swap3A_54, %swap3A_55, %swap3A_56] : memref<1x1x1024xi32, #tpu.memory_space<vmem>>, vector<1x1x1024xi32>
    %swap3A_58 = vector.shape_cast %swap3A_57 : vector<1x1x1024xi32> to vector<1024xi32>
    %swap3A_59 = vector.shape_cast %reduce_min3A_53 : vector<1024xi32> to vector<1x1x1024xi32>
    tpu.vector_store %arg8[%swap3A_54, %swap3A_55, %swap3A_56], %swap3A_59 {strides = array<i32>} : memref<1x1x1024xi32, #tpu.memory_space<vmem>>, vector<1x1x1024xi32>,
    %squeeze3A = vector.shape_cast %max3A_9 : vector<1024x1xf32> to vector<1024xf32>
    %squeeze3A_60 = vector.shape_cast %max3A_15 : vector<1024x1xf32> to vector<1024xf32>
    %mul3A = arith.mulf %squeeze3A, %squeeze3A : vector<1024xf32>
    %add3A = arith.constant 1.000000e+00 : f32
    %add3A_61 = vector.broadcast %add3A : f32 to vector<1024xf32>
    %add3A_62 = arith.addf %add3A_61, %mul3A : vector<1024xf32>
    %mul3A_63 = arith.constant 2.000000e+00 : f32
    %mul3A_64 = vector.broadcast %mul3A_63 : f32 to vector<1024xf32>
    %mul3A_65 = arith.mulf %mul3A_64, %squeeze3A : vector<1024xf32>
    %squeeze3A_66 = vector.shape_cast %broadcast_in_dim3A : vector<1024x1xf32> to vector<1024xf32>
    %sub3A_67 = arith.constant 1.000000e+00 : f32
    %sub3A_68 = vector.broadcast %sub3A_67 : f32 to vector<1024xf32>
    %sub3A_69 = arith.subf %sub3A_68, %squeeze3A_66 : vector<1024xf32>
    %mul3A_70 = arith.mulf %mul3A_65, %sub3A_69 : vector<1024xf32>
    %sub3A_71 = arith.subf %add3A_62, %mul3A_70 : vector<1024xf32>
    %reduce_sum3A = vector.shape_cast %sub3A_71 : vector<1024xf32> to vector<1x1024xf32>
    %reduce_sum3A_72 = arith.constant dense<0.000000e+00> : vector<1xf32>
    %reduce_sum3A_73 = vector.multi_reduction <add>, %reduce_sum3A, %reduce_sum3A_72 [1] : vector<1x1024xf32> to vector<1xf32>
    %reduce_sum3A_74 = vector.shape_cast %reduce_sum3A_73 : vector<1xf32> to vector<1x1xf32>
    %reduce_sum3A_75 = vector.extract %reduce_sum3A_74[0, 0] : f32 from vector<1x1xf32>
    %mul3A_76 = arith.mulf %squeeze3A_60, %squeeze3A_60 : vector<1024xf32>
    %add3A_77 = arith.constant 1.000000e+00 : f32
    %add3A_78 = vector.broadcast %add3A_77 : f32 to vector<1024xf32>
    %add3A_79 = arith.addf %add3A_78, %mul3A_76 : vector<1024xf32>
    %mul3A_80 = arith.constant 2.000000e+00 : f32
    %mul3A_81 = vector.broadcast %mul3A_80 : f32 to vector<1024xf32>
    %mul3A_82 = arith.mulf %mul3A_81, %squeeze3A_60 : vector<1024xf32>
    %squeeze3A_83 = vector.shape_cast %broadcast_in_dim3A_37 : vector<1024x1xf32> to vector<1024xf32>
    %sub3A_84 = arith.constant 1.000000e+00 : f32
    %sub3A_85 = vector.broadcast %sub3A_84 : f32 to vector<1024xf32>
    %sub3A_86 = arith.subf %sub3A_85, %squeeze3A_83 : vector<1024xf32>
    %mul3A_87 = arith.mulf %mul3A_82, %sub3A_86 : vector<1024xf32>
    %sub3A_88 = arith.subf %add3A_79, %mul3A_87 : vector<1024xf32>
    %reduce_sum3A_89 = vector.shape_cast %sub3A_88 : vector<1024xf32> to vector<1x1024xf32>
    %reduce_sum3A_90 = arith.constant dense<0.000000e+00> : vector<1xf32>
    %reduce_sum3A_91 = vector.multi_reduction <add>, %reduce_sum3A_89, %reduce_sum3A_90 [1] : vector<1x1024xf32> to vector<1xf32>
    %reduce_sum3A_92 = vector.shape_cast %reduce_sum3A_91 : vector<1xf32> to vector<1x1xf32>
    %reduce_sum3A_93 = vector.extract %reduce_sum3A_92[0, 0] : f32 from vector<1x1xf32>
    %mul3A_94 = arith.mulf %div3A_16, %div3A_18 : vector<1024x512xf32>
    %reduce_sum3A_95 = arith.constant dense<0.000000e+00> : vector<1024xf32>
    %reduce_sum3A_96 = vector.multi_reduction <add>, %mul3A_94, %reduce_sum3A_95 [1] : vector<1024x512xf32> to vector<1024xf32>
    %abs3A = math.absf %reduce_sum3A_96 : vector<1024xf32>
    %reduce_sum3A_97 = vector.shape_cast %abs3A : vector<1024xf32> to vector<1x1024xf32>
    %reduce_sum3A_98 = arith.constant dense<0.000000e+00> : vector<1xf32>
    %reduce_sum3A_99 = vector.multi_reduction <add>, %reduce_sum3A_97, %reduce_sum3A_98 [1] : vector<1x1024xf32> to vector<1xf32>
    %reduce_sum3A_100 = vector.shape_cast %reduce_sum3A_99 : vector<1xf32> to vector<1x1xf32>
    %reduce_sum3A_101 = vector.extract %reduce_sum3A_100[0, 0] : f32 from vector<1x1xf32>
    %iota3A_102 = tpu.iota {dimensions = array<i32: 0>} : vector<8x128xi32>
    %iota3A_103 = tpu.iota {dimensions = array<i32: 1>} : vector<8x128xi32>
    %eq3A_104 = arith.constant 0 : i32
    %eq3A_105 = vector.broadcast %eq3A_104 : i32 to vector<8x128xi32>
    %eq3A_106 = arith.cmpi eq, %iota3A_102, %eq3A_105 : vector<8x128xi32>
    %eq3A_107 = arith.constant 0 : i32
    %eq3A_108 = vector.broadcast %eq3A_107 : i32 to vector<8x128xi32>
    %eq3A_109 = arith.cmpi eq, %iota3A_103, %eq3A_108 : vector<8x128xi32>
    %and3A = arith.andi %eq3A_106, %eq3A_109 : vector<8x128xi1>
    %jit3A_110 = arith.constant 0.000000e+00 : f32
    %broadcast_in_dim3A_111 = vector.broadcast %reduce_sum3A_75 : f32 to vector<8x128xf32>
    %broadcast_in_dim3A_112 = vector.broadcast %jit3A_110 : f32 to vector<8x128xf32>
    %select_n3A_113 = arith.select %and3A, %broadcast_in_dim3A_111, %broadcast_in_dim3A_112 : vector<8x128xi1>, vector<8x128xf32>
    %eq3A_114 = arith.constant 1 : i32
    %eq3A_115 = vector.broadcast %eq3A_114 : i32 to vector<8x128xi32>
    %eq3A_116 = arith.cmpi eq, %iota3A_102, %eq3A_115 : vector<8x128xi32>
    %eq3A_117 = arith.constant 0 : i32
    %eq3A_118 = vector.broadcast %eq3A_117 : i32 to vector<8x128xi32>
    %eq3A_119 = arith.cmpi eq, %iota3A_103, %eq3A_118 : vector<8x128xi32>
    %and3A_120 = arith.andi %eq3A_116, %eq3A_119 : vector<8x128xi1>
    %jit3A_121 = arith.constant 0.000000e+00 : f32
    %broadcast_in_dim3A_122 = vector.broadcast %reduce_sum3A_93 : f32 to vector<8x128xf32>
    %broadcast_in_dim3A_123 = vector.broadcast %jit3A_121 : f32 to vector<8x128xf32>
    %select_n3A_124 = arith.select %and3A_120, %broadcast_in_dim3A_122, %broadcast_in_dim3A_123 : vector<8x128xi1>, vector<8x128xf32>
    %add3A_125 = arith.addf %select_n3A_113, %select_n3A_124 : vector<8x128xf32>
    %eq3A_126 = arith.constant 2 : i32
    %eq3A_127 = vector.broadcast %eq3A_126 : i32 to vector<8x128xi32>
    %eq3A_128 = arith.cmpi eq, %iota3A_102, %eq3A_127 : vector<8x128xi32>
    %eq3A_129 = arith.constant 0 : i32
    %eq3A_130 = vector.broadcast %eq3A_129 : i32 to vector<8x128xi32>
    %eq3A_131 = arith.cmpi eq, %iota3A_103, %eq3A_130 : vector<8x128xi32>
    %and3A_132 = arith.andi %eq3A_128, %eq3A_131 : vector<8x128xi1>
    %jit3A_133 = arith.constant 0.000000e+00 : f32
    %broadcast_in_dim3A_134 = vector.broadcast %reduce_sum3A_101 : f32 to vector<8x128xf32>
    %broadcast_in_dim3A_135 = vector.broadcast %jit3A_133 : f32 to vector<8x128xf32>
    %select_n3A_136 = arith.select %and3A_132, %broadcast_in_dim3A_134, %broadcast_in_dim3A_135 : vector<8x128xi1>, vector<8x128xf32>
    %add3A_137 = arith.addf %add3A_125, %select_n3A_136 : vector<8x128xf32>
    %eq3A_138 = arith.constant 0 : i32
    %eq3A_139 = arith.cmpi eq, %arg0, %eq3A_138 : i32
    %convert_element_type3A_140 = arith.extui %eq3A_139 : i1 to i32
    %cond3A = arith.constant 0 : i32
    %cond3A_141 = arith.cmpi ne, %convert_element_type3A_140, %cond3A : i32
    scf.if %cond3A_141 {
      %broadcast_in_dim3A_149 = arith.constant 0.000000e+00 : f32
      %broadcast_in_dim3A_150 = vector.broadcast %broadcast_in_dim3A_149 : f32 to vector<8x128xf32>
      %swap3A_151 = arith.constant 0 : index
      %swap3A_152 = arith.constant 0 : index
      %swap3A_153 = vector.load %arg9[%swap3A_151, %swap3A_152] : memref<8x128xf32, #tpu.memory_space<vmem>>, vector<8x128xf32>
      tpu.vector_store %arg9[%swap3A_151, %swap3A_152], %broadcast_in_dim3A_150 {strides = array<i32>} : memref<8x128xf32, #tpu.memory_space<vmem>>, vector<8x128xf32>,
    } else {
    }
    %get3A_142 = arith.constant 0 : index
    %get3A_143 = arith.constant 0 : index
    %get3A_144 = vector.load %arg9[%get3A_142, %get3A_143] : memref<8x128xf32, #tpu.memory_space<vmem>>, vector<8x128xf32>
    %add3A_145 = arith.addf %get3A_144, %add3A_137 : vector<8x128xf32>
    %swap3A_146 = arith.constant 0 : index
    %swap3A_147 = arith.constant 0 : index
    %swap3A_148 = vector.load %arg9[%swap3A_146, %swap3A_147] : memref<8x128xf32, #tpu.memory_space<vmem>>, vector<8x128xf32>
    tpu.vector_store %arg9[%swap3A_146, %swap3A_147], %add3A_145 {strides = array<i32>} : memref<8x128xf32, #tpu.memory_space<vmem>>, vector<8x128xf32>,
    return
  }
  func.func @transform_0(%arg0: i32) -> (i32, i32) {
    %c0_i32 = arith.constant 0 : i32
    %c0_i32_0 = arith.constant 0 : i32
    return %arg0, %c0_i32 : i32, i32
  }
  func.func @transform_1(%arg0: i32) -> (i32, i32) {
    %c0_i32 = arith.constant 0 : i32
    %c0_i32_0 = arith.constant 0 : i32
    return %arg0, %c0_i32 : i32, i32
  }
  func.func @transform_2(%arg0: i32) -> (i32, i32) {
    %c0_i32 = arith.constant 0 : i32
    %c0_i32_0 = arith.constant 0 : i32
    return %arg0, %c0_i32 : i32, i32
  }
  func.func @transform_3(%arg0: i32) -> (i32, i32) {
    %c0_i32 = arith.constant 0 : i32
    %c0_i32_0 = arith.constant 0 : i32
    return %arg0, %c0_i32 : i32, i32
  }
  func.func @transform_4(%arg0: i32) -> (i32, i32) {
    %c0_i32 = arith.constant 0 : i32
    %c0_i32_0 = arith.constant 0 : i32
    %c0_i32_1 = arith.constant 0 : i32
    return %c0_i32, %c0_i32_0 : i32, i32
  }
  func.func @transform_5(%arg0: i32) -> (i32, i32) {
    %c0_i32 = arith.constant 0 : i32
    %c0_i32_0 = arith.constant 0 : i32
    %c0_i32_1 = arith.constant 0 : i32
    return %c0_i32, %c0_i32_0 : i32, i32
  }
  func.func @transform_6(%arg0: i32) -> (i32, i32, i32) {
    %c0_i32 = arith.constant 0 : i32
    %c0_i32_0 = arith.constant 0 : i32
    %c0_i32_1 = arith.constant 0 : i32
    return %arg0, %c0_i32, %c0_i32_0 : i32, i32, i32
  }
  func.func @transform_7(%arg0: i32) -> (i32, i32, i32) {
    %c0_i32 = arith.constant 0 : i32
    %c0_i32_0 = arith.constant 0 : i32
    %c0_i32_1 = arith.constant 0 : i32
    return %arg0, %c0_i32, %c0_i32_0 : i32, i32, i32
  }
  func.func @transform_8(%arg0: i32) -> (i32, i32) {
    %c0_i32 = arith.constant 0 : i32
    %c0_i32_0 = arith.constant 0 : i32
    %c0_i32_1 = arith.constant 0 : i32
    return %c0_i32, %c0_i32_0 : i32, i32
  }
}

module attributes {stable_mosaic.version = 14 : i64} {
  func.func @_ln_body(%arg0: i32, %arg1: memref<1024x512xi32, #tpu.memory_space<vmem>>, %arg2: memref<1024x512xi32, #tpu.memory_space<vmem>>, %arg3: memref<1x1024xf32, #tpu.memory_space<vmem>>, %arg4: memref<1x1024xf32, #tpu.memory_space<vmem>>, %arg5: memref<1x1024xf32, #tpu.memory_space<vmem>>, %arg6: memref<1024x1024xf32, #tpu.memory_space<vmem>>) attributes {dimension_semantics = [#tpu.dimension_semantics<arbitrary>], iteration_bounds = array<i64: 8>, scalar_prefetch = 0 : i64, scratch_operands = 0 : i64, tpu.core_type = #tpu.core_type<tc>, window_params = [{transform_indices = @transform_0, window_bounds = array<i64: 1024, 512>}, {transform_indices = @transform_1, window_bounds = array<i64: 1024, 512>}, {pipeline_mode = #tpu.pipeline_mode<synchronous>, transform_indices = @transform_2, window_bounds = array<i64: 1, 1024>}, {pipeline_mode = #tpu.pipeline_mode<synchronous>, transform_indices = @transform_3, window_bounds = array<i64: 1, 1024>}, {pipeline_mode = #tpu.pipeline_mode<synchronous>, transform_indices = @transform_4, window_bounds = array<i64: 1, 1024>}, {transform_indices = @transform_5, window_bounds = array<i64: 1024, 1024>}]} {
    %get3A = arith.constant 0 : index
    %get3A_0 = arith.constant 0 : index
    %get3A_1 = vector.load %arg1[%get3A, %get3A_0] : memref<1024x512xi32, #tpu.memory_space<vmem>>, vector<1024x512xi32>
    %shift_left3A = arith.constant 16 : i32
    %shift_left3A_2 = vector.broadcast %shift_left3A : i32 to vector<1024x512xi32>
    %shift_left3A_3 = arith.shli %get3A_1, %shift_left3A_2 : vector<1024x512xi32>
    %bitcast_convert_type3A = tpu.bitcast %shift_left3A_3 : vector<1024x512xi32> -> vector<1024x512xf32>
    %and3A = arith.constant -65536 : i32
    %and3A_4 = vector.broadcast %and3A : i32 to vector<1024x512xi32>
    %and3A_5 = arith.andi %get3A_1, %and3A_4 : vector<1024x512xi32>
    %bitcast_convert_type3A_6 = tpu.bitcast %and3A_5 : vector<1024x512xi32> -> vector<1024x512xf32>
    %get3A_7 = arith.constant 0 : index
    %get3A_8 = arith.constant 0 : index
    %get3A_9 = vector.load %arg2[%get3A_7, %get3A_8] : memref<1024x512xi32, #tpu.memory_space<vmem>>, vector<1024x512xi32>
    %shift_left3A_10 = arith.constant 16 : i32
    %shift_left3A_11 = vector.broadcast %shift_left3A_10 : i32 to vector<1024x512xi32>
    %shift_left3A_12 = arith.shli %get3A_9, %shift_left3A_11 : vector<1024x512xi32>
    %bitcast_convert_type3A_13 = tpu.bitcast %shift_left3A_12 : vector<1024x512xi32> -> vector<1024x512xf32>
    %and3A_14 = arith.constant -65536 : i32
    %and3A_15 = vector.broadcast %and3A_14 : i32 to vector<1024x512xi32>
    %and3A_16 = arith.andi %get3A_9, %and3A_15 : vector<1024x512xi32>
    %bitcast_convert_type3A_17 = tpu.bitcast %and3A_16 : vector<1024x512xi32> -> vector<1024x512xf32>
    %add3A = arith.addf %bitcast_convert_type3A, %bitcast_convert_type3A_13 : vector<1024x512xf32>
    %add3A_18 = arith.addf %bitcast_convert_type3A_6, %bitcast_convert_type3A_17 : vector<1024x512xf32>
    %concatenate3A = tpu.concatenate %add3A, %add3A_18 in 1 : vector<1024x512xf32>, vector<1024x512xf32> -> vector<1024x1024xf32>
    %get3A_19 = arith.constant 0 : index
    %get3A_20 = arith.constant 0 : index
    %get3A_21 = vector.load %arg3[%get3A_19, %get3A_20] : memref<1x1024xf32, #tpu.memory_space<vmem>>, vector<1x1024xf32>
    %add3A_22 = vector.broadcast %get3A_21 : vector<1x1024xf32> to vector<1024x1024xf32>
    %add3A_23 = arith.addf %concatenate3A, %add3A_22 : vector<1024x1024xf32>
    %reduce_sum3A = arith.constant dense<0.000000e+00> : vector<1024xf32>
    %reduce_sum3A_24 = vector.multi_reduction <add>, %add3A_23, %reduce_sum3A [1] : vector<1024x1024xf32> to vector<1024xf32>
    %broadcast_in_dim3A = vector.shape_cast %reduce_sum3A_24 : vector<1024xf32> to vector<1024x1xf32>
    %div3A = arith.constant 1.024000e+03 : f32
    %div3A_25 = vector.broadcast %div3A : f32 to vector<1024x1xf32>
    %div3A_26 = arith.divf %broadcast_in_dim3A, %div3A_25 : vector<1024x1xf32>
    %sub3A = vector.broadcast %div3A_26 : vector<1024x1xf32> to vector<1024x1024xf32>
    %sub3A_27 = arith.subf %add3A_23, %sub3A : vector<1024x1024xf32>
    %integer_pow3A = arith.mulf %sub3A_27, %sub3A_27 : vector<1024x1024xf32>
    %reduce_sum3A_28 = arith.constant dense<0.000000e+00> : vector<1024xf32>
    %reduce_sum3A_29 = vector.multi_reduction <add>, %integer_pow3A, %reduce_sum3A_28 [1] : vector<1024x1024xf32> to vector<1024xf32>
    %broadcast_in_dim3A_30 = vector.shape_cast %reduce_sum3A_29 : vector<1024xf32> to vector<1024x1xf32>
    %div3A_31 = arith.constant 1.024000e+03 : f32
    %div3A_32 = vector.broadcast %div3A_31 : f32 to vector<1024x1xf32>
    %div3A_33 = arith.divf %broadcast_in_dim3A_30, %div3A_32 : vector<1024x1xf32>
    %sub3A_34 = vector.broadcast %div3A_26 : vector<1024x1xf32> to vector<1024x1024xf32>
    %sub3A_35 = arith.subf %add3A_23, %sub3A_34 : vector<1024x1024xf32>
    %add3A_36 = arith.constant 9.99999974E-6 : f32
    %add3A_37 = vector.broadcast %add3A_36 : f32 to vector<1024x1xf32>
    %add3A_38 = arith.addf %div3A_33, %add3A_37 : vector<1024x1xf32>
    %sqrt3A = math.sqrt %add3A_38 : vector<1024x1xf32>
    %div3A_39 = vector.broadcast %sqrt3A : vector<1024x1xf32> to vector<1024x1024xf32>
    %div3A_40 = arith.divf %sub3A_35, %div3A_39 : vector<1024x1024xf32>
    %get3A_41 = arith.constant 0 : index
    %get3A_42 = arith.constant 0 : index
    %get3A_43 = vector.load %arg4[%get3A_41, %get3A_42] : memref<1x1024xf32, #tpu.memory_space<vmem>>, vector<1x1024xf32>
    %mul3A = vector.broadcast %get3A_43 : vector<1x1024xf32> to vector<1024x1024xf32>
    %mul3A_44 = arith.mulf %div3A_40, %mul3A : vector<1024x1024xf32>
    %get3A_45 = arith.constant 0 : index
    %get3A_46 = arith.constant 0 : index
    %get3A_47 = vector.load %arg5[%get3A_45, %get3A_46] : memref<1x1024xf32, #tpu.memory_space<vmem>>, vector<1x1024xf32>
    %add3A_48 = vector.broadcast %get3A_47 : vector<1x1024xf32> to vector<1024x1024xf32>
    %add3A_49 = arith.addf %mul3A_44, %add3A_48 : vector<1024x1024xf32>
    %swap3A = arith.constant 0 : index
    %swap3A_50 = arith.constant 0 : index
    %swap3A_51 = vector.load %arg6[%swap3A, %swap3A_50] : memref<1024x1024xf32, #tpu.memory_space<vmem>>, vector<1024x1024xf32>
    tpu.vector_store %arg6[%swap3A, %swap3A_50], %add3A_49 {strides = array<i32>} : memref<1024x1024xf32, #tpu.memory_space<vmem>>, vector<1024x1024xf32>,
    return
  }
  func.func @transform_0(%arg0: i32) -> (i32, i32) {
    %c0_i32 = arith.constant 0 : i32
    %c0_i32_0 = arith.constant 0 : i32
    return %arg0, %c0_i32 : i32, i32
  }
  func.func @transform_1(%arg0: i32) -> (i32, i32) {
    %c0_i32 = arith.constant 0 : i32
    %c0_i32_0 = arith.constant 0 : i32
    return %arg0, %c0_i32 : i32, i32
  }
  func.func @transform_2(%arg0: i32) -> (i32, i32) {
    %c0_i32 = arith.constant 0 : i32
    %c0_i32_0 = arith.constant 0 : i32
    %c0_i32_1 = arith.constant 0 : i32
    return %c0_i32, %c0_i32_0 : i32, i32
  }
  func.func @transform_3(%arg0: i32) -> (i32, i32) {
    %c0_i32 = arith.constant 0 : i32
    %c0_i32_0 = arith.constant 0 : i32
    %c0_i32_1 = arith.constant 0 : i32
    return %c0_i32, %c0_i32_0 : i32, i32
  }
  func.func @transform_4(%arg0: i32) -> (i32, i32) {
    %c0_i32 = arith.constant 0 : i32
    %c0_i32_0 = arith.constant 0 : i32
    %c0_i32_1 = arith.constant 0 : i32
    return %c0_i32, %c0_i32_0 : i32, i32
  }
  func.func @transform_5(%arg0: i32) -> (i32, i32) {
    %c0_i32 = arith.constant 0 : i32
    %c0_i32_0 = arith.constant 0 : i32
    return %arg0, %c0_i32 : i32, i32
  }
}

</mosaic_0001>

<sc_bundles>
// kernel: kernel.7.cloned.1.call-start
scs
__scs_entry_jumppad:
0x0: {  	(pc) =	sbr.rel $0x88, $3  }
0x1: {  	(tag) =	ssettag $0x0;
	lr =	simm.s32 $0x1  }
0x2: {  	[smem:$0x3F92] =	sst lr;
	_ =	strace $0xD0000000  }
0x3: {  	_ = 	snop  }
0x4: {  	_ = 	snop  }
0x5: {  	_ = 	snop  }
0x6: {  	_ = 	snop  }
0x7: {  	_ = 	snop  }
__scs_overlays_trampoline_lowered:
0x8: {  	[smem:$0x3FA1] =	sst s0  }
0x9: {  	[smem:$0x3FA2] =	sst s1  }
0xa: {  	[smem:$0x3FA3] =	sst s2  }
0xb: {  	[smem:$0x3FA4] =	sst s3  }
0xc: {  	[smem:$0x3FA5] =	sst s4  }
0xd: {  	[smem:$0x3FA6] =	sst s5  }
0xe: {  	[smem:$0x3FA7] =	sst s6  }
0xf: {  	[smem:$0x3FA8] =	sst s7  }
0x10: {  	[smem:$0x3FA9] =	sst s8  }
0x11: {  	[smem:$0x3FAA] =	sst s9;
	s0 =	simm.s32 @!p0 $0x0  }
0x12: {  	s1 =	sld [smem:$0x3F90];
	s0 =	simm.s32 @p0 $0x1  }
0x13: {  	[smem:$0x3FAB] =	sst s0;
	s0 =	simm.s32 @!p1 $0x0  }
0x14: {  	s2 =	sld [smem:$0x3F8F];
	s0 =	simm.s32 @p1 $0x1  }
0x15: {  	[smem:$0x3FAC] =	sst s0;
	s0 =	simm.s32 @!p2 $0x0  }
0x16: {  	s3 =	sld [smem:$0x3FDB];
	s0 =	simm.s32 @p2 $0x1  }
0x17: {  	s4 =	simm.s32 $0x1BF5;
	[smem:$0x3FAE] =	sst s0  }
0x18: {  	s0 =	sld [smem:$0x3F91];
	_ =	swait.ge [sflag:s4], $0x0  }
0x19: {  	s7 =	sld [smem:$0x3F92]  }
0x1a: {  	s8 =	sadd.s32 $0xFFFFE003, lr  }
0x1b: {  	s9 =	sadd.s32 $0xFFFFFEF7, lr;
	s5 =	simm.s32 $0xFFFFFFFF;
	p2 =	slt.u32 s8, $0xFFFFF086  }
0x1c: {  	p1 =	slt.u32 s9, $0xF7A;
	s5 =	simm.s32 @!p2 $0x0  }
0x1d: {  	s5 =	simm.s32 @p1 $0x1;
	p0 =	seq.s32 s7, s2  }
0x1e: {  	s7 =	smul.u32 @!p0 $0xF7A, s2;
	p2 =	seq.s32 @!p0 s5, $0x0  }
0x1f: {  	s9 =	smul.u32 $0xF7A, s1;
	s8 =	simm.s32 @!p0 $0x1BF5;
	p2 =	por !p2, p0  }
0x20: {  	[sflag:s8] =	ssyncset.s32 @!p0 $0xFFFFF086;
	s6 =	sadd.s32 @!p0 s3, s7;
	s7 =	simm.s32 @!p0 $0x108  }
0x21: {  	s3 =	sadd.s32 s3, s9;
	s6 =	sadd.s32 @!p0 $0x88, s6;
	s7 =	simm.s32 @p2 $0x1082  }
0x22: {  	[simem:s7], [sflag:s8] =	dma.local @!p0 [hbm:s6], $0xF7A  }
0x23: {  	s9 =	sor.u32 $0xD0000000, s2;
	s6 =	simm.s32 $0x108;
	_ =	swait.ge @!p0 [sflag:s8], $0x0  }
0x24: {  	s3 =	sadd.s32 $0x88, s3;
	s6 =	simm.s32 @!p1 $0x1082;
	[sflag:s4] =	ssyncset.s32 $0xFFFFF086  }
0x25: {  	[simem:s6], [sflag:s4] =	dma.local [hbm:s3], $0xF7A  }
0x26: {  	[smem:$0x3F92] =	sst s1;
	(tag) =	ssettag s2;
	_ =	strace s9  }
0x27: {  	s1 =	sld [smem:$0x3FA2]  }
0x28: {  	s2 =	sld [smem:$0x3FA3]  }
0x29: {  	s4 =	sld [smem:$0x3FA5]  }
0x2a: {  	p0 =	seq.s32 s5, $0x0;
	s5 =	sld [smem:$0x3FA6]  }
0x2b: {  	s6 =	sld [smem:$0x3FA7]  }
0x2c: {  	s7 =	sld [smem:$0x3FA8]  }
0x2d: {  	s3 =	simm.s32 $0x108;
	s8 =	sld [smem:$0x3FA9]  }
0x2e: {  	s3 =	simm.s32 @!p0 $0x1082;
	s9 =	sld [smem:$0x3FAA]  }
0x2f: {  	lr =	sadd.s32 s0, s3;
	s0 =	sld [smem:$0x3FA1]  }
0x30: {  	s3 =	sld [smem:$0x3FA4]  }
0x31: {  	[smem:$0x3FAD] =	sst s10  }
0x32: {  	s10 =	sld [smem:$0x3FAB];
	_ =	sdelay $0x3  }
0x33: {  	p0 =	seq.s32 s10, $0x1;
	s10 =	sld [smem:$0x3FAD];
	_ =	sdelay $0x3  }
0x34: {  	[smem:$0x3FAD] =	sst s10  }
0x35: {  	s10 =	sld [smem:$0x3FAC];
	_ =	sdelay $0x3  }
0x36: {  	p1 =	seq.s32 s10, $0x1;
	s10 =	sld [smem:$0x3FAD];
	_ =	sdelay $0x3  }
0x37: {  	[smem:$0x3FAD] =	sst s10  }
0x38: {  	s10 =	sld [smem:$0x3FAE]  }
0x39: {  	_ = 	snop;
	(pc) =	sbr.ind lr, $3  }
0x3a: {  	_ = 	snop  }
0x3b: {  	_ = 	snop  }
0x3c: {  	p2 =	seq.s32 s10, $0x1;
	s10 =	sld [smem:$0x3FAD]  }
0x3d: {  	_ =	shalt  }
0x3e: {  	_ =	shalt  }
0x3f: {  	_ =	shalt  }
0x40: {  	_ =	shalt  }
0x41: {  	_ =	shalt  }
0x42: {  	_ =	shalt  }
0x43: {  	_ =	shalt  }
0x44: {  	_ =	shalt  }
0x45: {  	_ =	shalt  }
0x46: {  	_ =	shalt  }
0x47: {  	_ =	shalt  }
0x48: {  	_ =	shalt  }
0x49: {  	_ =	shalt  }
0x4a: {  	_ =	shalt  }
0x4b: {  	_ =	shalt  }
0x4c: {  	_ =	shalt  }
0x4d: {  	_ =	shalt  }
0x4e: {  	_ =	shalt  }
0x4f: {  	_ =	shalt  }
0x50: {  	_ =	shalt  }
0x51: {  	_ =	shalt  }
0x52: {  	_ =	shalt  }
0x53: {  	_ =	shalt  }
0x54: {  	_ =	shalt  }
0x55: {  	_ =	shalt  }
0x56: {  	_ =	shalt  }
0x57: {  	_ =	shalt  }
0x58: {  	_ =	shalt  }
0x59: {  	_ =	shalt  }
0x5a: {  	_ =	shalt  }
0x5b: {  	_ =	shalt  }
0x5c: {  	_ =	shalt  }
0x5d: {  	_ =	shalt  }
0x5e: {  	_ =	shalt  }
0x5f: {  	_ =	shalt  }
0x60: {  	_ =	shalt  }
0x61: {  	_ =	shalt  }
0x62: {  	_ =	shalt  }
0x63: {  	_ =	shalt  }
0x64: {  	_ =	shalt  }
0x65: {  	_ =	shalt  }
0x66: {  	_ =	shalt  }
0x67: {  	_ =	shalt  }
0x68: {  	_ =	shalt  }
0x69: {  	_ =	shalt  }
0x6a: {  	_ =	shalt  }
0x6b: {  	_ =	shalt  }
0x6c: {  	_ =	shalt  }
0x6d: {  	_ =	shalt  }
0x6e: {  	_ =	shalt  }
0x6f: {  	_ =	shalt  }
0x70: {  	_ =	shalt  }
0x71: {  	_ =	shalt  }
0x72: {  	_ =	shalt  }
0x73: {  	_ =	shalt  }
0x74: {  	_ =	shalt  }
0x75: {  	_ =	shalt  }
0x76: {  	_ =	shalt  }
0x77: {  	_ =	shalt  }
0x78: {  	_ =	shalt  }
0x79: {  	_ =	shalt  }
0x7a: {  	_ =	shalt  }
0x7b: {  	_ =	shalt  }
0x7c: {  	_ =	shalt  }
0x7d: {  	_ =	shalt  }
0x7e: {  	_ =	shalt  }
0x7f: {  	_ =	shalt  }
0x80: {  	_ =	shalt  }
0x81: {  	_ =	shalt  }
0x82: {  	_ =	shalt  }
0x83: {  	_ =	shalt  }
0x84: {  	_ =	shalt  }
0x85: {  	_ =	shalt  }
0x86: {  	_ =	shalt  }
0x87: {  	_ =	shalt  }
.Lfunc_end0:
.L_simem_size_0:
called_computation_lowered:
.L_overlay_start_0:
0x88: {  	s2 =	sld [smem:$0x3FD9]  }
0x89: {  	s3 =	sld [smem:$0x3FFE];
	_ =	sdelay $0x1  }
0x8a: {  	s1 =	srdreg.scid  }
0x8b: {  	s0 =	sand.u32 $0x1, s1  }
0x8c: {  	s14 =	sshll.u32 s0, $0xA;
	s2 =	sadd.s32 s3, s2  }
0x8d: {  	s2 =	sadd.s32 s2, s14  }
0x8e: {  	[smem:$0x3FB9] =	sst s2  }
0x8f: {  	_ = 	snop  }
0x90: {  	s2 =	sld [smem:$0x3FD0];
	_ =	sdelay $0x2  }
0x91: {  	s15 =	simm.s32 $0xA;
	s4 =	simm.s32 $0x10  }
0x92: {  	[smem:s4], [sflag:s15] =	dma.local [hbm:s2], $0x1  }
0x93: {  	_ =	swait.eq [sflag:s15], $0x1  }
0x94: {  	[sflag:s15] =	ssyncset.done $0x0  }
0x95: {  	[sflag:s15] =	ssyncadd.s32 $0xFFFFFFFF  }
0x96: {  	s16 =	sld [smem:$0x10];
	(tm) =	ssettm $0x1  }
0x97: {  	s17 =	sld [smem:$0x3FFB];
	_ =	sdelay $0x3  }
0x98: {  	_ =	strace s17  }
0x99: {  	s3 =	sld [smem:$0x3FFC];
	_ =	sdelay $0x3  }
0x9a: {  	_ =	strace s3  }
0x9b: {  	s3 =	sld [smem:$0x3FFD];
	_ =	sdelay $0x3  }
0x9c: {  	_ =	strace s3  }
0x9d: {  	_ =	strace $0x8FFFFFFF  }
0x9e: {  	s18 =	sld [smem:$0x3FDB];
	_ =	sdelay $0x1  }
0x9f: {  	s19 =	simm.s32 $_scs_section_size  }
0xa0: {  	s5 =	simm.s32 $_size__tile_overlayer_lowered;
	s6 =	simm.s32 $_tile_overlayer_lowered  }
0xa1: {  	s22 =	simm.s32 $0x1BFF;
	s21 =	sshll.u32 s6, $0x1;
	s3 =	sadd.s32 s19, s18  }
0xa2: {  	s7 =	simm.s32 $0x0;
	s20 =	sshll.u32 s5, $0x1;
	s5 =	sadd.s32 s21, s3  }
0xa3: {  	[timem:s7], [sflag:s22] =	dma.local [hbm:s5], s20  }
0xa4: {  	_ =	swait.ge [sflag:s22], s20  }
0xa5: {  	s4 =	ssub.s32 $0x0, s20;
	[sflag:s22] =	ssyncset.done $0x0  }
0xa6: {  	[sflag:s22] =	ssyncadd.s32 s4;
	_ =	sdelay $0x1  }
0xa7: {  	s23 =	simm.s32 $0x1B8B  }
0xa8: {  	_ =	swait.ge [sflag:s23], $0x1  }
0xa9: {  	[sflag:s23] =	ssyncset.done $0x0  }
0xaa: {  	s25 =	simm.s32 $0x1B8E;
	s24 =	sld [smem:$0x3FFE];
	[sflag:s23] =	ssyncadd.s32 $0xFFFFFFFF  }
0xab: {  	s26 =	simm.s32 $execute0_lowered;
	[smem:$0x3FD2] =	sst s25  }
0xac: {  	s5 =	sshll.u32 s26, $0x1;
	_ =	strace $0x80000046;
	[dreg:$0x1] =	wrdreg $0xFFFFFFFF  }
0xad: {  	s28 =	simm.s32 $_size_execute0_lowered;
	s3 =	sadd.s32 s3, s5;
	[dreg:$0x0] =	wrdreg $0x0  }
0xae: {  	s5 =	sshll.u32 s28, $0x1;
	[dreg:$0x2] =	wrdreg s3  }
0xaf: {  	[dreg:$0x3] =	wrdreg s5  }
0xb0: {  	[dreg:$0x4] =	wrdreg $0xC0  }
0xb1: {  	_ =	task [dreg:s7], $0x5FFFF  }
0xb2: {  	[dreg:$0x1] =	wrdreg $0xFFFFFFFF  }
0xb3: {  	[dreg:$0x0] =	wrdreg $0x60  }
0xb4: {  	[dreg:$0x2] =	wrdreg s24  }
0xb5: {  	[dreg:$0x3] =	wrdreg s16  }
0xb6: {  	[dreg:$0x4] =	wrdreg $0x9  }
0xb7: {  	_ =	task.clear_ibuf [dreg:s7], $0x5FFFF;
	_ =	strace $0x90000046  }
0xb8: {  	s29 =	simm.s32 $0x9;
	_ =	strace $0x80000048  }
0xb9: {  	_ =	swait.ge [sflag:s29], $0x1  }
0xba: {  	[sflag:s29] =	ssyncadd.s32 $0xFFFFFFFF  }
0xbb: {  	_ =	strace $0x90000048  }
0xbc: {  	_ =	sfence  }
0xbd: {  	s30 =	sld [smem:$0x0];
	_ =	sdelay $0x2  }
0xbe: {  	s31 =	sshll.u32 s1, $0xD;
	s1 =	sshrl.u32 s1, $0x2  }
0xbf: {  	s3 =	sand.u32 $0x4000, s31;
	s1 =	sadd.s32 s1, s30  }
0xc0: {  	s0 =	sor.u32 s3, s0;
	s1 =	sshll.u32 s1, $0x11  }
0xc1: {  	s0 =	sor.u32 s1, s0  }
0xc2: {  	s0 =	sadd.s32 $0x8F2B, s0  }
0xc3: {  	[sflag:s0] =	ssyncadd.remote.s32 $0x1  }
0xc4: {  	_ =	sfence.sel $0xFFFF  }
0xc5: {  	[dreg:$0x0] =	wrdreg $0xFFFFFFFF;
	(pc) =	sbr.abs _section_cstart, $3  }
0xc6: {  	[dreg:$0x1] =	wrdreg $0xFFFFFFFF  }
0xc7: {  	_ =	task.clear_ibuf [dreg:s7], $0x2FFFF;
	_ =	strace $0x9FFFFFFF  }
0xc8: {  	(tm) =	ssettm $0x7FFFFFFF  }
0xc9: {  	_ =	shalt  }
tec
execute0_lowered:
.L_overlay_start_1:
0x0: {  	(tag) =	ssettag $0x1  }
0x1: {  	s0 =	rddreg [dreg:$0x0]  }
0x2: {  	s1 =	rddreg [dreg:$0x1];
	s2 =	simm.s32 $0x0  }
0x3: {  	s9 =	simm.s32 $0xA00;
	[smem:$0x7FF] =	sst s2  }
0x4: {  	s10 =	simm.s32 $0x1200;
	_ =	strace $0x80000047;
	[dreg:$0x5] =	wrdreg s9  }
0x5: {  	s3 =	srdreg.scid;
	s11 =	simm.s32 $0x1A00;
	[dreg:$0x6] =	wrdreg s10  }
0x6: {  	s6 =	stileid.u32;
	s12 =	simm.s32 $0x2200;
	[dreg:$0x7] =	wrdreg s11  }
0x7: {  	s13 =	simm.s32 $0x2A00;
	s14 =	simm.s32 $0x3200;
	[dreg:$0x8] =	wrdreg s12  }
0x8: {  	s15 =	simm.s32 $0x3A00;
	s17 =	simm.s32 $0x4200;
	[dreg:$0x9] =	wrdreg s13  }
0x9: {  	s18 =	simm.s32 $0x4A00;
	s20 =	simm.s32 $0x5200;
	[dreg:$0xa] =	wrdreg s14  }
0xa: {  	s21 =	simm.s32 $0x5A00;
	s22 =	simm.s32 $0x6200;
	[dreg:$0xb] =	wrdreg s15  }
0xb: {  	s23 =	simm.s32 $0x6A00;
	s24 =	simm.s32 $0x7200;
	[dreg:$0xc] =	wrdreg s17  }
0xc: {  	s25 =	simm.s32 $0x7A00;
	s26 =	simm.s32 $0x8A00;
	[dreg:$0xd] =	wrdreg s18  }
0xd: {  	s28 =	simm.s32 $0x1;
	s29 =	simm.s32 $0x2;
	[dreg:$0xe] =	wrdreg s20  }
0xe: {  	s30 =	simm.s32 $0x0;
	s5 =	sand.u32 $0x1, s3;
	[dreg:$0xf] =	wrdreg s21  }
0xf: {  	s31 =	sshll.u32 s6, $0xF;
	s3 =	sadd.s32 $0x81000, s0;
	[dreg:$0x10] =	wrdreg s22  }
0x10: {  	s6 =	sshll.u32 s6, $0x9;
	s4 =	sadd.s32 s31, s0;
	[dreg:$0x11] =	wrdreg s23  }
0x11: {  	s1 =	sadd.s32 s31, s1;
	s7 =	sshll.u32 s5, $0xE;
	[dreg:$0x12] =	wrdreg s24  }
0x12: {  	s10 =	simm.s32 $0x3;
	[dreg:$0x13] =	wrdreg s25;
	s12 =	simm.s32 $0x200  }
0x13: {  	[dreg:$0x14] =	wrdreg s26;
	s31 =	simm.s32 $0x9200;
	s13 =	simm.s32 $0x8200  }
0x14: {  	s14 =	simm.s32 $0x9A00;
	s15 =	simm.s32 $0xA200;
	s17 =	simm.s32 $0xB200  }
0x15: {  	s18 =	simm.s32 $0xBA00;
	s20 =	simm.s32 $0xCA00;
	s21 =	simm.s32 $0xD200  }
0x16: {  	s22 =	simm.s32 $0xDA00;
	s23 =	simm.s32 $0xE200;
	s24 =	simm.s32 $0xEA00  }
0x17: {  	s25 =	simm.s32 $0xF200;
	s26 =	simm.s32 $0xFA00;
	s1 =	sadd.s32 s7, s1  }
0x18: {  	s4 =	sadd.s32 s7, s4;
	s7 =	sshll.u32 s5, $0x8;
	[dreg:$0x15] =	wrdreg s31  }
0x19: {  	s5 =	ssub.s32 $0x2, s5;
	[dreg:$0x3] =	wrdreg s1;
	s8 =	sadd.s32 $0xA1000, s4  }
0x1a: {  	s4 =	sadd.s32 $0x91000, s0;
	s6 =	sor.u32 s7, s6;
	s16 =	sshrl.u32 s5, $0x1  }
0x1b: {  	s7 =	sadd.s32 $0x81100, s0;
	[dreg:$0x4] =	wrdreg s8;
	s6 =	sshrl.u32 s6, $0x3  }
0x1c: {  	v2 =	vlaneseq.u32;
	s9 =	ssub.s32 s5, s16;
	s8 =	sadd.s32 $0x91100, s0;
	s6 =	sadd.s32 s6, s0  }
0x1d: {  	vm0 =	vmmov $0xffff;
	v1 =	vshrl.u32 v2, $0x3;
	s16 =	simm.s32 $0xAA00;
	s9 =	smax.u32 s9, $0x1;
	s19 =	sadd.s32 $0x1000, s6  }
0x1e: {  	v0 =	vand.u32 $0x7, v2;
	v2 =	vor.u32 $0x8, v2;
	v1 =	vmul.u32 $0x8, v1;
	s6 =	sadd.s32 $0x1400, s6;
	[dreg:$0x16] =	wrdreg s19;
	s19 =	simm.s32 $0xC200  }
.LBB2_1:
0x1f: {  	s0 =	rddreg [dreg:$0x16]  }
0x20: {  	[tilespmem:s2], [sflag:$0x3] =	stream.linear.gather [hbm4b:s0+s2], $0x100, $0x38;
	[tilespmem:$0x10200] =	vst v63  }
0x21: {  	_ =	swait.ge [sflag:s10], $0x100  }
0x22: {  	[sflag:s10] =	ssyncset.done $0x0  }
0x23: {  	s11 =	simm.s32 $0x100;
	[sflag:s10] =	ssyncadd.s32 $0xFFFFFF00  }
0x24: {  	[tilespmem:s11], [sflag:$0x3] =	stream.linear.gather [hbm4b:s6+s2], $0x100, $0x38;
	[tilespmem:$0x10200] =	vst v63  }
0x25: {  	_ =	swait.ge [sflag:s10], $0x100  }
0x26: {  	s31 =	simm.s32 $0x120;
	[sflag:s10] =	ssyncset.done $0x0  }
0x27: {  	s1 =	simm.s32 $0x0;
	s0 =	simm.s32 $0x20;
	[sflag:s10] =	ssyncadd.s32 $0xFFFFFF00  }
.LBB2_2:
0x28: {  	v3 =	vld [tilespmem:s0+$0xFFFFFFE0];
	_ =	sdelay $0x4  }
0x29: {  	v4 =	vshll.u32 v3, $0x2  }
0x2a: {  	v3 =	vand.u32 $0x7, v3;
	v4 =	vand.u32 $0xFFFFFFE0, v4  }
0x2b: {  	v3 =	vor.u32 v3, v4  }
0x2c: {  	v4 =	vperm.xlane v3, v0;
	_ =	sdelay $0x1  }
0x2d: {  	v4 =	vadd.s32 v1, v4;
	_ =	sdelay $0x1  }
0x2e: {  	v3 =	vperm.xlane v3, v2;
	_ =	sdelay $0x1  }
0x2f: {  	v3 =	vadd.s32 v1, v3  }
0x30: {  	[tilespmem:s12], [sflag:$0x1] =	stream.indirect_vreg.gather [hbm4b:s3+s2], $0x80, v4, vm0, $0xb8;
	[tilespmem:$0x10200] =	vst v63  }
0x31: {  	s11 =	rddreg [dreg:$0x5]  }
0x32: {  	[tilespmem:s11], [sflag:$0x1] =	stream.indirect_vreg.gather [hbm4b:s7+s2], $0x80, v4, vm0, $0xb8;
	[tilespmem:$0x10200] =	vst v63  }
0x33: {  	s5 =	rddreg [dreg:$0x6]  }
0x34: {  	[tilespmem:s5], [sflag:$0x1] =	stream.indirect_vreg.gather [hbm4b:s3+s2], $0x80, v3, vm0, $0xb8;
	[tilespmem:$0x10200] =	vst v63  }
0x35: {  	s11 =	rddreg [dreg:$0x7]  }
0x36: {  	[tilespmem:s11], [sflag:$0x1] =	stream.indirect_vreg.gather [hbm4b:s7+s2], $0x80, v3, vm0, $0xb8;
	[tilespmem:$0x10200] =	vst v63  }
0x37: {  	v3 =	vld [tilespmem:s0+$0xFFFFFFF0];
	_ =	sdelay $0x4  }
0x38: {  	v57 =	vshll.u32 v3, $0x2  }
0x39: {  	v3 =	vand.u32 $0x7, v3;
	v4 =	vand.u32 $0xFFFFFFE0, v57  }
0x3a: {  	v3 =	vor.u32 v3, v4  }
0x3b: {  	v4 =	vperm.xlane v3, v0;
	_ =	sdelay $0x1  }
0x3c: {  	v4 =	vadd.s32 v1, v4;
	_ =	sdelay $0x1  }
0x3d: {  	v3 =	vperm.xlane v3, v2;
	_ =	sdelay $0x1  }
0x3e: {  	s5 =	rddreg [dreg:$0x8];
	v3 =	vadd.s32 v1, v3  }
0x3f: {  	[tilespmem:s5], [sflag:$0x1] =	stream.indirect_vreg.gather [hbm4b:s3+s2], $0x80, v4, vm0, $0xb8;
	[tilespmem:$0x10200] =	vst v63  }
0x40: {  	s11 =	rddreg [dreg:$0x9]  }
0x41: {  	[tilespmem:s11], [sflag:$0x1] =	stream.indirect_vreg.gather [hbm4b:s7+s2], $0x80, v4, vm0, $0xb8;
	[tilespmem:$0x10200] =	vst v63  }
0x42: {  	s5 =	rddreg [dreg:$0xa]  }
0x43: {  	[tilespmem:s5], [sflag:$0x1] =	stream.indirect_vreg.gather [hbm4b:s3+s2], $0x80, v3, vm0, $0xb8;
	[tilespmem:$0x10200] =	vst v63  }
0x44: {  	s11 =	rddreg [dreg:$0xb]  }
0x45: {  	[tilespmem:s11], [sflag:$0x1] =	stream.indirect_vreg.gather [hbm4b:s7+s2], $0x80, v3, vm0, $0xb8;
	[tilespmem:$0x10200] =	vst v63  }
0x46: {  	v3 =	vld [tilespmem:s0+$0x0];
	_ =	sdelay $0x4  }
0x47: {  	v58 =	vshll.u32 v3, $0x2  }
0x48: {  	v3 =	vand.u32 $0x7, v3;
	v4 =	vand.u32 $0xFFFFFFE0, v58  }
0x49: {  	v3 =	vor.u32 v3, v4  }
0x4a: {  	v4 =	vperm.xlane v3, v0;
	_ =	sdelay $0x1  }
0x4b: {  	v4 =	vadd.s32 v1, v4;
	_ =	sdelay $0x1  }
0x4c: {  	v3 =	vperm.xlane v3, v2;
	_ =	sdelay $0x1  }
0x4d: {  	s5 =	rddreg [dreg:$0xc];
	v3 =	vadd.s32 v1, v3  }
0x4e: {  	[tilespmem:s5], [sflag:$0x1] =	stream.indirect_vreg.gather [hbm4b:s3+s2], $0x80, v4, vm0, $0xb8;
	[tilespmem:$0x10200] =	vst v63  }
0x4f: {  	s11 =	rddreg [dreg:$0xd]  }
0x50: {  	[tilespmem:s11], [sflag:$0x1] =	stream.indirect_vreg.gather [hbm4b:s7+s2], $0x80, v4, vm0, $0xb8;
	[tilespmem:$0x10200] =	vst v63  }
0x51: {  	s5 =	rddreg [dreg:$0xe]  }
0x52: {  	[tilespmem:s5], [sflag:$0x1] =	stream.indirect_vreg.gather [hbm4b:s3+s2], $0x80, v3, vm0, $0xb8;
	[tilespmem:$0x10200] =	vst v63  }
0x53: {  	s11 =	rddreg [dreg:$0xf]  }
0x54: {  	[tilespmem:s11], [sflag:$0x1] =	stream.indirect_vreg.gather [hbm4b:s7+s2], $0x80, v3, vm0, $0xb8;
	[tilespmem:$0x10200] =	vst v63  }
0x55: {  	v3 =	vld [tilespmem:s0+$0x10];
	_ =	sdelay $0x4  }
0x56: {  	v59 =	vshll.u32 v3, $0x2  }
0x57: {  	v3 =	vand.u32 $0x7, v3;
	v4 =	vand.u32 $0xFFFFFFE0, v59  }
0x58: {  	v3 =	vor.u32 v3, v4  }
0x59: {  	v4 =	vperm.xlane v3, v0;
	_ =	sdelay $0x1  }
0x5a: {  	v4 =	vadd.s32 v1, v4;
	_ =	sdelay $0x1  }
0x5b: {  	v3 =	vperm.xlane v3, v2;
	_ =	sdelay $0x1  }
0x5c: {  	s5 =	rddreg [dreg:$0x10];
	v3 =	vadd.s32 v1, v3  }
0x5d: {  	[tilespmem:s5], [sflag:$0x1] =	stream.indirect_vreg.gather [hbm4b:s3+s2], $0x80, v4, vm0, $0xb8;
	[tilespmem:$0x10200] =	vst v63  }
0x5e: {  	s11 =	rddreg [dreg:$0x11]  }
0x5f: {  	[tilespmem:s11], [sflag:$0x1] =	stream.indirect_vreg.gather [hbm4b:s7+s2], $0x80, v4, vm0, $0xb8;
	[tilespmem:$0x10200] =	vst v63  }
0x60: {  	s5 =	rddreg [dreg:$0x12]  }
0x61: {  	[tilespmem:s5], [sflag:$0x1] =	stream.indirect_vreg.gather [hbm4b:s3+s2], $0x80, v3, vm0, $0xb8;
	[tilespmem:$0x10200] =	vst v63  }
0x62: {  	s11 =	rddreg [dreg:$0x13]  }
0x63: {  	[tilespmem:s11], [sflag:$0x1] =	stream.indirect_vreg.gather [hbm4b:s7+s2], $0x80, v3, vm0, $0xb8;
	[tilespmem:$0x10200] =	vst v63  }
0x64: {  	v3 =	vld [tilespmem:s31+$0xFFFFFFE0];
	_ =	sdelay $0x4  }
0x65: {  	v60 =	vshll.u32 v3, $0x2  }
0x66: {  	v3 =	vand.u32 $0x7, v3;
	v4 =	vand.u32 $0xFFFFFFE0, v60  }
0x67: {  	v3 =	vor.u32 v3, v4  }
0x68: {  	v4 =	vperm.xlane v3, v0;
	_ =	sdelay $0x1  }
0x69: {  	v4 =	vadd.s32 v1, v4;
	_ =	sdelay $0x1  }
0x6a: {  	v3 =	vperm.xlane v3, v2;
	_ =	sdelay $0x1  }
0x6b: {  	v3 =	vadd.s32 v1, v3  }
0x6c: {  	[tilespmem:s13], [sflag:$0x2] =	stream.indirect_vreg.gather [hbm4b:s4+s2], $0x80, v4, vm0, $0xb8;
	[tilespmem:$0x10200] =	vst v63  }
0x6d: {  	s5 =	rddreg [dreg:$0x14]  }
0x6e: {  	[tilespmem:s5], [sflag:$0x2] =	stream.indirect_vreg.gather [hbm4b:s8+s2], $0x80, v4, vm0, $0xb8;
	[tilespmem:$0x10200] =	vst v63  }
0x6f: {  	s11 =	rddreg [dreg:$0x15]  }
0x70: {  	[tilespmem:s11], [sflag:$0x2] =	stream.indirect_vreg.gather [hbm4b:s4+s2], $0x80, v3, vm0, $0xb8;
	[tilespmem:$0x10200] =	vst v63  }
0x71: {  	_ = 	snop  }
0x72: {  	[tilespmem:s14], [sflag:$0x2] =	stream.indirect_vreg.gather [hbm4b:s8+s2], $0x80, v3, vm0, $0xb8;
	[tilespmem:$0x10200] =	vst v63  }
0x73: {  	v3 =	vld [tilespmem:s31+$0xFFFFFFF0];
	_ =	sdelay $0x4  }
0x74: {  	v61 =	vshll.u32 v3, $0x2  }
0x75: {  	v3 =	vand.u32 $0x7, v3;
	v4 =	vand.u32 $0xFFFFFFE0, v61  }
0x76: {  	v3 =	vor.u32 v3, v4  }
0x77: {  	v4 =	vperm.xlane v3, v0;
	_ =	sdelay $0x1  }
0x78: {  	v4 =	vadd.s32 v1, v4;
	_ =	sdelay $0x1  }
0x79: {  	v3 =	vperm.xlane v3, v2;
	_ =	sdelay $0x1  }
0x7a: {  	v3 =	vadd.s32 v1, v3  }
0x7b: {  	[tilespmem:s15], [sflag:$0x2] =	stream.indirect_vreg.gather [hbm4b:s4+s2], $0x80, v4, vm0, $0xb8;
	[tilespmem:$0x10200] =	vst v63  }
0x7c: {  	_ = 	snop  }
0x7d: {  	[tilespmem:s16], [sflag:$0x2] =	stream.indirect_vreg.gather [hbm4b:s8+s2], $0x80, v4, vm0, $0xb8;
	[tilespmem:$0x10200] =	vst v63  }
0x7e: {  	_ = 	snop  }
0x7f: {  	[tilespmem:s17], [sflag:$0x2] =	stream.indirect_vreg.gather [hbm4b:s4+s2], $0x80, v3, vm0, $0xb8;
	[tilespmem:$0x10200] =	vst v63  }
0x80: {  	_ = 	snop  }
0x81: {  	[tilespmem:s18], [sflag:$0x2] =	stream.indirect_vreg.gather [hbm4b:s8+s2], $0x80, v3, vm0, $0xb8;
	[tilespmem:$0x10200] =	vst v63  }
0x82: {  	v3 =	vld [tilespmem:s31+$0x0];
	_ =	sdelay $0x4  }
0x83: {  	v62 =	vshll.u32 v3, $0x2  }
0x84: {  	v3 =	vand.u32 $0x7, v3;
	v4 =	vand.u32 $0xFFFFFFE0, v62  }
0x85: {  	v3 =	vor.u32 v3, v4  }
0x86: {  	v4 =	vperm.xlane v3, v0;
	_ =	sdelay $0x1  }
0x87: {  	v4 =	vadd.s32 v1, v4;
	_ =	sdelay $0x1  }
0x88: {  	v3 =	vperm.xlane v3, v2;
	_ =	sdelay $0x1  }
0x89: {  	v3 =	vadd.s32 v1, v3  }
0x8a: {  	[tilespmem:s19], [sflag:$0x2] =	stream.indirect_vreg.gather [hbm4b:s4+s2], $0x80, v4, vm0, $0xb8;
	[tilespmem:$0x10200] =	vst v63  }
0x8b: {  	_ = 	snop  }
0x8c: {  	[tilespmem:s20], [sflag:$0x2] =	stream.indirect_vreg.gather [hbm4b:s8+s2], $0x80, v4, vm0, $0xb8;
	[tilespmem:$0x10200] =	vst v63  }
0x8d: {  	_ = 	snop  }
0x8e: {  	[tilespmem:s21], [sflag:$0x2] =	stream.indirect_vreg.gather [hbm4b:s4+s2], $0x80, v3, vm0, $0xb8;
	[tilespmem:$0x10200] =	vst v63  }
0x8f: {  	_ = 	snop  }
0x90: {  	[tilespmem:s22], [sflag:$0x2] =	stream.indirect_vreg.gather [hbm4b:s8+s2], $0x80, v3, vm0, $0xb8;
	[tilespmem:$0x10200] =	vst v63  }
0x91: {  	v3 =	vld [tilespmem:s31+$0x10];
	_ =	sdelay $0x4  }
0x92: {  	v63 =	vshll.u32 v3, $0x2  }
0x93: {  	v3 =	vand.u32 $0x7, v3;
	v4 =	vand.u32 $0xFFFFFFE0, v63  }
0x94: {  	v3 =	vor.u32 v3, v4  }
0x95: {  	v4 =	vperm.xlane v3, v0;
	_ =	sdelay $0x1  }
0x96: {  	v4 =	vadd.s32 v1, v4;
	_ =	sdelay $0x1  }
0x97: {  	v3 =	vperm.xlane v3, v2;
	_ =	sdelay $0x1  }
0x98: {  	v3 =	vadd.s32 v1, v3  }
0x99: {  	[tilespmem:s23], [sflag:$0x2] =	stream.indirect_vreg.gather [hbm4b:s4+s2], $0x80, v4, vm0, $0xb8;
	[tilespmem:$0x10200] =	vst v63  }
0x9a: {  	_ = 	snop  }
0x9b: {  	[tilespmem:s24], [sflag:$0x2] =	stream.indirect_vreg.gather [hbm4b:s8+s2], $0x80, v4, vm0, $0xb8;
	[tilespmem:$0x10200] =	vst v63  }
0x9c: {  	_ = 	snop  }
0x9d: {  	[tilespmem:s25], [sflag:$0x2] =	stream.indirect_vreg.gather [hbm4b:s4+s2], $0x80, v3, vm0, $0xb8;
	[tilespmem:$0x10200] =	vst v63  }
0x9e: {  	_ = 	snop  }
0x9f: {  	[tilespmem:s26], [sflag:$0x2] =	stream.indirect_vreg.gather [hbm4b:s8+s2], $0x80, v3, vm0, $0xb8;
	[tilespmem:$0x10200] =	vst v63  }
0xa0: {  	_ =	swait.ge [sflag:s28], $0x8000  }
0xa1: {  	s11 =	rddreg [dreg:$0x3];
	[sflag:s28] =	ssyncset.done $0x0  }
0xa2: {  	[sflag:s28] =	ssyncadd.s32 $0xFFFF8000;
	s5 =	sadd.s32 s1, s11  }
0xa3: {  	[hbm4b:s5+s2] =	stream.linear.scatter [tilespmem:s12], [sflag:$0x3], $0x8000, $0x38;
	[tilespmem:$0x10200] =	vst v63  }
0xa4: {  	_ =	swait.ge [sflag:s10], $0x8000  }
0xa5: {  	[sflag:s10] =	ssyncset.done $0x0  }
0xa6: {  	[sflag:s10] =	ssyncadd.s32 $0xFFFF8000  }
0xa7: {  	_ =	swait.ge [sflag:s29], $0x8000  }
0xa8: {  	p0 =	sne.s32 s1, $0x3000;
	s11 =	rddreg [dreg:$0x4];
	[sflag:s29] =	ssyncset.done $0x0  }
.Ltmp0:
0xa9: {  	[sflag:s29] =	ssyncadd.s32 $0xFFFF8000;
	s5 =	sadd.s32 s1, s11;
	(pc) =	sbr.rel @p0 .LBB2_2-.Ltmp0, $4  }
0xaa: {  	[hbm4b:s5+s2] =	stream.linear.scatter [tilespmem:s13], [sflag:$0x3], $0x8000, $0x38;
	[tilespmem:$0x10200] =	vst v63  }
0xab: {  	_ =	swait.ge [sflag:s10], $0x8000  }
0xac: {  	s0 =	sadd.s32 $0x40, s0;
	[sflag:s10] =	ssyncset.done $0x0  }
0xad: {  	s31 =	sadd.s32 $0x40, s31;
	s1 =	sadd.s32 $0x1000, s1;
	[sflag:s10] =	ssyncadd.s32 $0xFFFF8000  }
0xae: {  	s30 =	sadd.s32 $0x1, s30  }
0xaf: {  	p0 =	sne.s32 s30, s9  }
.Ltmp1:
0xb0: {  	_ = 	snop;
	(pc) =	sbr.rel @p0 .LBB2_1-.Ltmp1, $1  }
0xb1: {  	_ =	sdelay $0x3  }
0xb2: {  	_ =	sfence.sel $0x180000  }
0xb3: {  	[bflag:$0x0] =	sbarrier.arrive $0xFFFF  }
0xb4: {  	_ =	strace $0x90000047  }
0xb5: {  	s0 =	stileid.u32;
	[bflag:$0x2] =	sbarrier.arrive $0xFFFF  }
0xb6: {  	p0 =	sne.s32 s0, $0x0;
	s0 =	rddreg [dreg:$0x2]  }
0xb7: {  	s0 =	sadd.s32 @!p0 $0x100000, s0  }
0xb8: {  	[sflag:s0] =	ssyncadd.tile.s32 @!p0 $0x1;
	_ =	shalt  }
.Lfunc_end2:
_tile_overlayer_lowered:
.L_overlay_start_2:
0xb9: {  	(tag) =	ssettag $0x2  }
0xba: {  	s0 =	rddreg [dreg:$0x0];
	s2 =	stileid.u32  }
0xbb: {  	s1 =	rddreg [dreg:$0x1];
	p0 =	sne.s32 s2, $0x0  }
0xbc: {  	s3 =	rddreg [dreg:$0x2];
	[bflag:$0x3] =	sbarrier.arrive $0xFFFF;
	s2 =	simm.s32 @!p0 $0x1C03  }
0xbd: {  	[timem:s3], [sflag:s2] =	dma.local @!p0 [hbm:s0], s1  }
0xbe: {  	s0 =	simm.s32 @!p0 $0x3  }
0xbf: {  	_ =	swait.ge @!p0 [sflag:s0], s1  }
0xc0: {  	s1 =	ssub.s32 @!p0 $0x0, s1;
	[sflag:s0] =	ssyncset.done @!p0 $0x0  }
0xc1: {  	[sflag:s0] =	ssyncadd.s32 @!p0 s1  }
0xc2: {  	[bflag:$0x3] =	sbarrier.arrive $0xFFFF  }
0xc3: {  	_ =	shalt  }

</sc_bundles>
